<compile_context>
chip_gen: v7x
topology: tpu7x:2x2x1
jax: 0.10.2.dev20260603
libtpu: 0.0.44.dev20260713+nightly
codegen_flags: <defaults>
</compile_context>

<pallas_src>
import functools

import jax
import jax.numpy as jnp
from jax import lax
from jax.experimental import pallas as pl
from jax.experimental.pallas import tpu as pltpu
from jax.experimental.pallas import tpu_sc as plsc

_NC = 2
_NS = 16
_NW = _NC * _NS

_NBUF = 4
_CHUNK = 320


def _gather_call(idx_flat, table):
    n, = idx_flat.shape
    _, d = table.shape
    n_per_w = n // _NW
    n_chunks = n_per_w // _CHUNK
    n_rounds = n_chunks // _NBUF
    n_pro = (_NBUF - 1) * _CHUNK

    mesh = plsc.VectorSubcoreMesh(
        core_axis_name="c", subcore_axis_name="s",
        num_cores=_NC, num_subcores=_NS)

    @functools.partial(
        pl.kernel,
        out_type=jax.ShapeDtypeStruct((n, d), jnp.float32),
        mesh=mesh,
        scratch_types=[
            pltpu.VMEM((n_per_w,), jnp.int32),
            [pltpu.VMEM((_CHUNK, d), jnp.float32) for _ in range(_NBUF)],
            [pltpu.SemaphoreType.DMA for _ in range(_NBUF)],
            [pltpu.SemaphoreType.DMA for _ in range(_NBUF)],
            pltpu.SemaphoreType.DMA,
        ],
        compiler_params=pltpu.CompilerParams(use_tc_tiling_on_sc=False),
    )
    def k(idx_hbm, table_hbm, out_hbm, idx_v, rows, gsem, osem, isem):
        wid = lax.axis_index("s") * _NC + lax.axis_index("c")
        base = pl.multiple_of(wid * n_per_w, 8)

        def fire_g(ci, b):
            off = pl.multiple_of(ci * _CHUNK, 8)
            pltpu.async_copy(
                table_hbm.at[idx_v.at[pl.ds(off, _CHUNK)]], rows[b], gsem[b])

        def wait_g(b):
            pltpu.make_async_copy(
                out_hbm.at[pl.ds(base, _CHUNK)], rows[b], gsem[b]).wait()

        def fire_s(ci, b):
            off = pl.multiple_of(ci * _CHUNK, 8)
            pltpu.async_copy(
                rows[b], out_hbm.at[pl.ds(base + off, _CHUNK)], osem[b])

        def wait_s(b):
            pltpu.make_async_copy(
                rows[b], out_hbm.at[pl.ds(base, _CHUNK)], osem[b]).wait()

        pltpu.sync_copy(idx_hbm.at[pl.ds(base, n_pro)],
                        idx_v.at[pl.ds(0, n_pro)])
        for b in range(_NBUF - 1):
            fire_g(b, b)
        rest = pltpu.async_copy(
            idx_hbm.at[pl.ds(base + n_pro, n_per_w - n_pro)],
            idx_v.at[pl.ds(n_pro, n_per_w - n_pro)], isem)

        wait_g(0); fire_s(0, 0)
        rest.wait()
        fire_g(_NBUF - 1, _NBUF - 1)
        for b in range(1, _NBUF):
            wait_g(b)
            fire_s(b, b)
            wait_s(b - 1)
            fire_g(b + _NBUF - 1, b - 1)

        def round_body(r, carry):
            for b in range(_NBUF):
                ci = r * _NBUF + b
                wait_g(b)
                fire_s(ci, b)
                wait_s((b + _NBUF - 1) % _NBUF)
                fire_g(ci + _NBUF - 1, (b + _NBUF - 1) % _NBUF)
            return carry

        lax.fori_loop(1, n_rounds - 1, round_body, 0)

        c0 = (n_rounds - 1) * _NBUF
        wait_g(0); fire_s(c0, 0); wait_s(_NBUF - 1)
        fire_g(c0 + _NBUF - 1, _NBUF - 1)
        for b in range(1, _NBUF):
            wait_g(b)
            fire_s(c0 + b, b)

        for b in range(_NBUF):
            wait_s(b)

    return k(idx_flat, table)


def kernel(token_tag, tok_table, tag_table):
    b, s = token_tag.shape
    _, d = tok_table.shape
    idx = token_tag.reshape(b * s)
    out = _gather_call(idx, tok_table)
    return out.reshape(b, s, d)

# --- scband reference (transcript-rebuilt; emitter-appended) ---
"""Pipeline reference for scband-embedding-layer-22213570855348 (READ-ONLY COPY).

The authoritative reference and input builder live on the scoring server;
editing this copy changes nothing except your own understanding.
"""

import jax, jax.numpy as jnp
import numpy as np

VOCAB_SIZE = 1000000
TAG_SIZE = 64
EMBED_DIM = 32
BATCH = 4096
SEQ = 200

def setup_inputs(seed: int = 0) -> dict:
    key = jax.random.key(seed)
    k1, k2, k3 = jax.random.split(key, 3)
    token_tag = jax.random.randint(k1, (BATCH, SEQ), 0, VOCAB_SIZE, dtype=jnp.int64 if jax.config.jax_enable_x64 else jnp.int32).astype(jnp.int32)
    tok_table = jax.random.normal(k2, (VOCAB_SIZE, EMBED_DIM), dtype=jnp.float32)
    tag_table = jax.random.normal(k3, (TAG_SIZE, EMBED_DIM), dtype=jnp.float32)
    # padding_idx=0 -> row 0 is zeros in torch nn.Embedding
    tok_table = tok_table.at[0].set(0.0)
    tag_table = tag_table.at[0].set(0.0)
    return {"token_tag": token_tag, "tok_table": tok_table, "tag_table": tag_table}

def reference(token_tag, tok_table, tag_table):
    # forward with type='vocab' (default): emb = tok_embedding(token_tag)
    emb = jnp.take(tok_table, token_tag, axis=0)
    return emb

if __name__ == "__main__":
    import jax
    _d = setup_inputs()
    print(jax.jit(kernel)(*tuple(_d.values())))

</pallas_src>

<mosaic_0001>
#map = affine_map<(d0, d1) -> (0)>
#map1 = affine_map<(d0, d1) -> (0, 0)>
module attributes {stable_mosaic.version = 14 : i64} {
  func.func @k(%arg0: i32, %arg1: i32, %arg2: memref<819200xi32, #tpu.memory_space<hbm>>, %arg3: memref<1000000x32xf32, #tpu.memory_space<hbm>>, %arg4: memref<819200x32xf32, #tpu.memory_space<hbm>>, %arg5: memref<25600xi32, #tpu.memory_space<vmem>>, %arg6: memref<320x32xf32, #tpu.memory_space<vmem>>, %arg7: memref<320x32xf32, #tpu.memory_space<vmem>>, %arg8: memref<320x32xf32, #tpu.memory_space<vmem>>, %arg9: memref<320x32xf32, #tpu.memory_space<vmem>>, %arg10: memref<!tpu.dma_semaphore, #tpu.memory_space<semaphore_mem>>, %arg11: memref<!tpu.dma_semaphore, #tpu.memory_space<semaphore_mem>>, %arg12: memref<!tpu.dma_semaphore, #tpu.memory_space<semaphore_mem>>, %arg13: memref<!tpu.dma_semaphore, #tpu.memory_space<semaphore_mem>>, %arg14: memref<!tpu.dma_semaphore, #tpu.memory_space<semaphore_mem>>, %arg15: memref<!tpu.dma_semaphore, #tpu.memory_space<semaphore_mem>>, %arg16: memref<!tpu.dma_semaphore, #tpu.memory_space<semaphore_mem>>, %arg17: memref<!tpu.dma_semaphore, #tpu.memory_space<semaphore_mem>>, %arg18: memref<!tpu.dma_semaphore, #tpu.memory_space<semaphore_mem>>) attributes {dimension_semantics = [#tpu.dimension_semantics<core_parallel>, #tpu.dimension_semantics<subcore_parallel>], iteration_bounds = array<i64: 2, 16>, scalar_prefetch = 0 : i64, scratch_operands = 14 : i64, tpu.core_type = #tpu.core_type<sc_vector_subcore>, window_params = [{transform_indices = #map}, {transform_indices = #map1}, {transform_indices = #map1}]} {
    %mul3A = arith.constant 2 : i32
    %mul3A_0 = arith.muli %arg1, %mul3A : i32
    %add3A = arith.addi %mul3A_0, %arg0 : i32
    %mul3A_1 = arith.constant 25600 : i32
    %mul3A_2 = arith.muli %add3A, %mul3A_1 : i32
    %multiple_of3A = tpu.assume_multiple %mul3A_2, 8 : i32
    "tpu.region"() ({
      %run_scoped3A = tpu.sem_alloc : memref<!tpu.dma_semaphore, #tpu.memory_space<semaphore_mem>>
      %dma_start3A_188 = arith.constant 0 : i32
      %dma_start3A_189 = tpu.memref_slice %arg5[%dma_start3A_188] : memref<25600xi32, #tpu.memory_space<vmem>> -> memref<960xi32, #tpu.memory_space<vmem>>
      %dma_start3A_190 = tpu.memref_slice %arg2[%multiple_of3A] : memref<819200xi32, #tpu.memory_space<hbm>> -> memref<960xi32, #tpu.memory_space<hbm>>
      %dma_start3A_191 = arith.constant 0 : i32
      %dma_start3A_192 = tpu.memref_slice %arg5[%dma_start3A_191] : memref<25600xi32, #tpu.memory_space<vmem>> -> memref<960xi32, #tpu.memory_space<vmem>>
      %dma_start3A_193 = tpu.memref_slice %arg2[%multiple_of3A] : memref<819200xi32, #tpu.memory_space<hbm>> -> memref<960xi32, #tpu.memory_space<hbm>>
      tpu.enqueue_dma source(%dma_start3A_193 : memref<960xi32, #tpu.memory_space<hbm>>) target(%dma_start3A_192 : memref<960xi32, #tpu.memory_space<vmem>>) target_semaphore(%run_scoped3A : memref<!tpu.dma_semaphore, #tpu.memory_space<semaphore_mem>>)
      %dma_wait3A_194 = arith.constant 0 : i32
      %dma_wait3A_195 = tpu.memref_slice %arg5[%dma_wait3A_194] : memref<25600xi32, #tpu.memory_space<vmem>> -> memref<960xi32, #tpu.memory_space<vmem>>
      %dma_wait3A_196 = tpu.memref_slice %arg2[%multiple_of3A] : memref<819200xi32, #tpu.memory_space<hbm>> -> memref<960xi32, #tpu.memory_space<hbm>>
      %dma_wait3A_197 = arith.constant 0 : i32
      %dma_wait3A_198 = tpu.memref_slice %arg5[%dma_wait3A_197] : memref<25600xi32, #tpu.memory_space<vmem>> -> memref<960xi32, #tpu.memory_space<vmem>>
      %dma_wait3A_199 = tpu.memref_slice %arg2[%multiple_of3A] : memref<819200xi32, #tpu.memory_space<hbm>> -> memref<960xi32, #tpu.memory_space<hbm>>
      tpu.wait_dma2 semaphore(%run_scoped3A : memref<!tpu.dma_semaphore, #tpu.memory_space<semaphore_mem>>) src(%dma_wait3A_199 : memref<960xi32, #tpu.memory_space<hbm>>) dst(%dma_wait3A_198 : memref<960xi32, #tpu.memory_space<vmem>>)
      tpu.yield
    }) : () -> ()
    %multiple_of3A_3 = arith.constant 0 : i32
    %multiple_of3A_4 = tpu.assume_multiple %multiple_of3A_3, 8 : i32
    %dma_start3A = tpu.memref_slice %arg5[%multiple_of3A_4] : memref<25600xi32, #tpu.memory_space<vmem>> -> memref<320xi32, #tpu.memory_space<vmem>>
    %dma_start3A_5 = arith.constant 0 : i32
    %dma_start3A_6 = arith.constant 0 : i32
    %dma_start3A_7 = tpu.memref_slice %arg3[%dma_start3A_5, %dma_start3A_6] : memref<1000000x32xf32, #tpu.memory_space<hbm>> -> memref<1000000x32xf32, #tpu.memory_space<hbm>>
    tpu.enqueue_indirect_dma source(%dma_start3A_7 : memref<1000000x32xf32, #tpu.memory_space<hbm>>) target(%arg6 : memref<320x32xf32, #tpu.memory_space<vmem>>) offsets(%dma_start3A : memref<320xi32, #tpu.memory_space<vmem>>) semaphore(%arg10 : memref<!tpu.dma_semaphore, #tpu.memory_space<semaphore_mem>>)
    %multiple_of3A_8 = arith.constant 320 : i32
    %multiple_of3A_9 = tpu.assume_multiple %multiple_of3A_8, 8 : i32
    %dma_start3A_10 = tpu.memref_slice %arg5[%multiple_of3A_9] : memref<25600xi32, #tpu.memory_space<vmem>> -> memref<320xi32, #tpu.memory_space<vmem>>
    %dma_start3A_11 = arith.constant 0 : i32
    %dma_start3A_12 = arith.constant 0 : i32
    %dma_start3A_13 = tpu.memref_slice %arg3[%dma_start3A_11, %dma_start3A_12] : memref<1000000x32xf32, #tpu.memory_space<hbm>> -> memref<1000000x32xf32, #tpu.memory_space<hbm>>
    tpu.enqueue_indirect_dma source(%dma_start3A_13 : memref<1000000x32xf32, #tpu.memory_space<hbm>>) target(%arg7 : memref<320x32xf32, #tpu.memory_space<vmem>>) offsets(%dma_start3A_10 : memref<320xi32, #tpu.memory_space<vmem>>) semaphore(%arg11 : memref<!tpu.dma_semaphore, #tpu.memory_space<semaphore_mem>>)
    %multiple_of3A_14 = arith.constant 640 : i32
    %multiple_of3A_15 = tpu.assume_multiple %multiple_of3A_14, 8 : i32
    %dma_start3A_16 = tpu.memref_slice %arg5[%multiple_of3A_15] : memref<25600xi32, #tpu.memory_space<vmem>> -> memref<320xi32, #tpu.memory_space<vmem>>
    %dma_start3A_17 = arith.constant 0 : i32
    %dma_start3A_18 = arith.constant 0 : i32
    %dma_start3A_19 = tpu.memref_slice %arg3[%dma_start3A_17, %dma_start3A_18] : memref<1000000x32xf32, #tpu.memory_space<hbm>> -> memref<1000000x32xf32, #tpu.memory_space<hbm>>
    tpu.enqueue_indirect_dma source(%dma_start3A_19 : memref<1000000x32xf32, #tpu.memory_space<hbm>>) target(%arg8 : memref<320x32xf32, #tpu.memory_space<vmem>>) offsets(%dma_start3A_16 : memref<320xi32, #tpu.memory_space<vmem>>) semaphore(%arg12 : memref<!tpu.dma_semaphore, #tpu.memory_space<semaphore_mem>>)
    %add3A_20 = arith.constant 960 : i32
    %add3A_21 = arith.addi %multiple_of3A, %add3A_20 : i32
    %dma_start3A_22 = arith.constant 960 : i32
    %dma_start3A_23 = tpu.memref_slice %arg5[%dma_start3A_22] : memref<25600xi32, #tpu.memory_space<vmem>> -> memref<24640xi32, #tpu.memory_space<vmem>>
    %dma_start3A_24 = tpu.memref_slice %arg2[%add3A_21] : memref<819200xi32, #tpu.memory_space<hbm>> -> memref<24640xi32, #tpu.memory_space<hbm>>
    %dma_start3A_25 = arith.constant 960 : i32
    %dma_start3A_26 = tpu.memref_slice %arg5[%dma_start3A_25] : memref<25600xi32, #tpu.memory_space<vmem>> -> memref<24640xi32, #tpu.memory_space<vmem>>
    %dma_start3A_27 = tpu.memref_slice %arg2[%add3A_21] : memref<819200xi32, #tpu.memory_space<hbm>> -> memref<24640xi32, #tpu.memory_space<hbm>>
    tpu.enqueue_dma source(%dma_start3A_27 : memref<24640xi32, #tpu.memory_space<hbm>>) target(%dma_start3A_26 : memref<24640xi32, #tpu.memory_space<vmem>>) target_semaphore(%arg18 : memref<!tpu.dma_semaphore, #tpu.memory_space<semaphore_mem>>)
    %dma_wait3A = arith.constant 0 : i32
    %dma_wait3A_28 = tpu.memref_slice %arg4[%multiple_of3A, %dma_wait3A] : memref<819200x32xf32, #tpu.memory_space<hbm>> -> memref<320x32xf32, #tpu.memory_space<hbm>>
    %dma_wait3A_29 = arith.constant 0 : i32
    %dma_wait3A_30 = tpu.memref_slice %arg4[%multiple_of3A, %dma_wait3A_29] : memref<819200x32xf32, #tpu.memory_space<hbm>> -> memref<320x32xf32, #tpu.memory_space<hbm>>
    tpu.wait_dma2 semaphore(%arg10 : memref<!tpu.dma_semaphore, #tpu.memory_space<semaphore_mem>>) src(%dma_wait3A_30 : memref<320x32xf32, #tpu.memory_space<hbm>>) dst(%arg6 : memref<320x32xf32, #tpu.memory_space<vmem>>)
    %multiple_of3A_31 = arith.constant 0 : i32
    %multiple_of3A_32 = tpu.assume_multiple %multiple_of3A_31, 8 : i32
    %add3A_33 = arith.addi %multiple_of3A, %multiple_of3A_32 : i32
    %dma_start3A_34 = arith.constant 0 : i32
    %dma_start3A_35 = tpu.memref_slice %arg4[%add3A_33, %dma_start3A_34] : memref<819200x32xf32, #tpu.memory_space<hbm>> -> memref<320x32xf32, #tpu.memory_space<hbm>>
    %dma_start3A_36 = arith.constant 0 : i32
    %dma_start3A_37 = tpu.memref_slice %arg4[%add3A_33, %dma_start3A_36] : memref<819200x32xf32, #tpu.memory_space<hbm>> -> memref<320x32xf32, #tpu.memory_space<hbm>>
    tpu.enqueue_dma source(%arg6 : memref<320x32xf32, #tpu.memory_space<vmem>>) target(%dma_start3A_37 : memref<320x32xf32, #tpu.memory_space<hbm>>) target_semaphore(%arg14 : memref<!tpu.dma_semaphore, #tpu.memory_space<semaphore_mem>>)
    %dma_wait3A_38 = arith.constant 960 : i32
    %dma_wait3A_39 = tpu.memref_slice %arg5[%dma_wait3A_38] : memref<25600xi32, #tpu.memory_space<vmem>> -> memref<24640xi32, #tpu.memory_space<vmem>>
    %dma_wait3A_40 = tpu.memref_slice %arg2[%add3A_21] : memref<819200xi32, #tpu.memory_space<hbm>> -> memref<24640xi32, #tpu.memory_space<hbm>>
    %dma_wait3A_41 = arith.constant 960 : i32
    %dma_wait3A_42 = tpu.memref_slice %arg5[%dma_wait3A_41] : memref<25600xi32, #tpu.memory_space<vmem>> -> memref<24640xi32, #tpu.memory_space<vmem>>
    %dma_wait3A_43 = tpu.memref_slice %arg2[%add3A_21] : memref<819200xi32, #tpu.memory_space<hbm>> -> memref<24640xi32, #tpu.memory_space<hbm>>
    tpu.wait_dma2 semaphore(%arg18 : memref<!tpu.dma_semaphore, #tpu.memory_space<semaphore_mem>>) src(%dma_wait3A_43 : memref<24640xi32, #tpu.memory_space<hbm>>) dst(%dma_wait3A_42 : memref<24640xi32, #tpu.memory_space<vmem>>)
    %multiple_of3A_44 = arith.constant 960 : i32
    %multiple_of3A_45 = tpu.assume_multiple %multiple_of3A_44, 8 : i32
    %dma_start3A_46 = tpu.memref_slice %arg5[%multiple_of3A_45] : memref<25600xi32, #tpu.memory_space<vmem>> -> memref<320xi32, #tpu.memory_space<vmem>>
    %dma_start3A_47 = arith.constant 0 : i32
    %dma_start3A_48 = arith.constant 0 : i32
    %dma_start3A_49 = tpu.memref_slice %arg3[%dma_start3A_47, %dma_start3A_48] : memref<1000000x32xf32, #tpu.memory_space<hbm>> -> memref<1000000x32xf32, #tpu.memory_space<hbm>>
    tpu.enqueue_indirect_dma source(%dma_start3A_49 : memref<1000000x32xf32, #tpu.memory_space<hbm>>) target(%arg9 : memref<320x32xf32, #tpu.memory_space<vmem>>) offsets(%dma_start3A_46 : memref<320xi32, #tpu.memory_space<vmem>>) semaphore(%arg13 : memref<!tpu.dma_semaphore, #tpu.memory_space<semaphore_mem>>)
    %dma_wait3A_50 = arith.constant 0 : i32
    %dma_wait3A_51 = tpu.memref_slice %arg4[%multiple_of3A, %dma_wait3A_50] : memref<819200x32xf32, #tpu.memory_space<hbm>> -> memref<320x32xf32, #tpu.memory_space<hbm>>
    %dma_wait3A_52 = arith.constant 0 : i32
    %dma_wait3A_53 = tpu.memref_slice %arg4[%multiple_of3A, %dma_wait3A_52] : memref<819200x32xf32, #tpu.memory_space<hbm>> -> memref<320x32xf32, #tpu.memory_space<hbm>>
    tpu.wait_dma2 semaphore(%arg11 : memref<!tpu.dma_semaphore, #tpu.memory_space<semaphore_mem>>) src(%dma_wait3A_53 : memref<320x32xf32, #tpu.memory_space<hbm>>) dst(%arg7 : memref<320x32xf32, #tpu.memory_space<vmem>>)
    %multiple_of3A_54 = arith.constant 320 : i32
    %multiple_of3A_55 = tpu.assume_multiple %multiple_of3A_54, 8 : i32
    %add3A_56 = arith.addi %multiple_of3A, %multiple_of3A_55 : i32
    %dma_start3A_57 = arith.constant 0 : i32
    %dma_start3A_58 = tpu.memref_slice %arg4[%add3A_56, %dma_start3A_57] : memref<819200x32xf32, #tpu.memory_space<hbm>> -> memref<320x32xf32, #tpu.memory_space<hbm>>
    %dma_start3A_59 = arith.constant 0 : i32
    %dma_start3A_60 = tpu.memref_slice %arg4[%add3A_56, %dma_start3A_59] : memref<819200x32xf32, #tpu.memory_space<hbm>> -> memref<320x32xf32, #tpu.memory_space<hbm>>
    tpu.enqueue_dma source(%arg7 : memref<320x32xf32, #tpu.memory_space<vmem>>) target(%dma_start3A_60 : memref<320x32xf32, #tpu.memory_space<hbm>>) target_semaphore(%arg15 : memref<!tpu.dma_semaphore, #tpu.memory_space<semaphore_mem>>)
    %dma_wait3A_61 = arith.constant 0 : i32
    %dma_wait3A_62 = tpu.memref_slice %arg4[%multiple_of3A, %dma_wait3A_61] : memref<819200x32xf32, #tpu.memory_space<hbm>> -> memref<320x32xf32, #tpu.memory_space<hbm>>
    %dma_wait3A_63 = arith.constant 0 : i32
    %dma_wait3A_64 = tpu.memref_slice %arg4[%multiple_of3A, %dma_wait3A_63] : memref<819200x32xf32, #tpu.memory_space<hbm>> -> memref<320x32xf32, #tpu.memory_space<hbm>>
    tpu.wait_dma2 semaphore(%arg14 : memref<!tpu.dma_semaphore, #tpu.memory_space<semaphore_mem>>) src(%arg6 : memref<320x32xf32, #tpu.memory_space<vmem>>) dst(%dma_wait3A_64 : memref<320x32xf32, #tpu.memory_space<hbm>>)
    %multiple_of3A_65 = arith.constant 1280 : i32
    %multiple_of3A_66 = tpu.assume_multiple %multiple_of3A_65, 8 : i32
    %dma_start3A_67 = tpu.memref_slice %arg5[%multiple_of3A_66] : memref<25600xi32, #tpu.memory_space<vmem>> -> memref<320xi32, #tpu.memory_space<vmem>>
    %dma_start3A_68 = arith.constant 0 : i32
    %dma_start3A_69 = arith.constant 0 : i32
    %dma_start3A_70 = tpu.memref_slice %arg3[%dma_start3A_68, %dma_start3A_69] : memref<1000000x32xf32, #tpu.memory_space<hbm>> -> memref<1000000x32xf32, #tpu.memory_space<hbm>>
    tpu.enqueue_indirect_dma source(%dma_start3A_70 : memref<1000000x32xf32, #tpu.memory_space<hbm>>) target(%arg6 : memref<320x32xf32, #tpu.memory_space<vmem>>) offsets(%dma_start3A_67 : memref<320xi32, #tpu.memory_space<vmem>>) semaphore(%arg10 : memref<!tpu.dma_semaphore, #tpu.memory_space<semaphore_mem>>)
    %dma_wait3A_71 = arith.constant 0 : i32
    %dma_wait3A_72 = tpu.memref_slice %arg4[%multiple_of3A, %dma_wait3A_71] : memref<819200x32xf32, #tpu.memory_space<hbm>> -> memref<320x32xf32, #tpu.memory_space<hbm>>
    %dma_wait3A_73 = arith.constant 0 : i32
    %dma_wait3A_74 = tpu.memref_slice %arg4[%multiple_of3A, %dma_wait3A_73] : memref<819200x32xf32, #tpu.memory_space<hbm>> -> memref<320x32xf32, #tpu.memory_space<hbm>>
    tpu.wait_dma2 semaphore(%arg12 : memref<!tpu.dma_semaphore, #tpu.memory_space<semaphore_mem>>) src(%dma_wait3A_74 : memref<320x32xf32, #tpu.memory_space<hbm>>) dst(%arg8 : memref<320x32xf32, #tpu.memory_space<vmem>>)
    %multiple_of3A_75 = arith.constant 640 : i32
    %multiple_of3A_76 = tpu.assume_multiple %multiple_of3A_75, 8 : i32
    %add3A_77 = arith.addi %multiple_of3A, %multiple_of3A_76 : i32
    %dma_start3A_78 = arith.constant 0 : i32
    %dma_start3A_79 = tpu.memref_slice %arg4[%add3A_77, %dma_start3A_78] : memref<819200x32xf32, #tpu.memory_space<hbm>> -> memref<320x32xf32, #tpu.memory_space<hbm>>
    %dma_start3A_80 = arith.constant 0 : i32
    %dma_start3A_81 = tpu.memref_slice %arg4[%add3A_77, %dma_start3A_80] : memref<819200x32xf32, #tpu.memory_space<hbm>> -> memref<320x32xf32, #tpu.memory_space<hbm>>
    tpu.enqueue_dma source(%arg8 : memref<320x32xf32, #tpu.memory_space<vmem>>) target(%dma_start3A_81 : memref<320x32xf32, #tpu.memory_space<hbm>>) target_semaphore(%arg16 : memref<!tpu.dma_semaphore, #tpu.memory_space<semaphore_mem>>)
    %dma_wait3A_82 = arith.constant 0 : i32
    %dma_wait3A_83 = tpu.memref_slice %arg4[%multiple_of3A, %dma_wait3A_82] : memref<819200x32xf32, #tpu.memory_space<hbm>> -> memref<320x32xf32, #tpu.memory_space<hbm>>
    %dma_wait3A_84 = arith.constant 0 : i32
    %dma_wait3A_85 = tpu.memref_slice %arg4[%multiple_of3A, %dma_wait3A_84] : memref<819200x32xf32, #tpu.memory_space<hbm>> -> memref<320x32xf32, #tpu.memory_space<hbm>>
    tpu.wait_dma2 semaphore(%arg15 : memref<!tpu.dma_semaphore, #tpu.memory_space<semaphore_mem>>) src(%arg7 : memref<320x32xf32, #tpu.memory_space<vmem>>) dst(%dma_wait3A_85 : memref<320x32xf32, #tpu.memory_space<hbm>>)
    %multiple_of3A_86 = arith.constant 1600 : i32
    %multiple_of3A_87 = tpu.assume_multiple %multiple_of3A_86, 8 : i32
    %dma_start3A_88 = tpu.memref_slice %arg5[%multiple_of3A_87] : memref<25600xi32, #tpu.memory_space<vmem>> -> memref<320xi32, #tpu.memory_space<vmem>>
    %dma_start3A_89 = arith.constant 0 : i32
    %dma_start3A_90 = arith.constant 0 : i32
    %dma_start3A_91 = tpu.memref_slice %arg3[%dma_start3A_89, %dma_start3A_90] : memref<1000000x32xf32, #tpu.memory_space<hbm>> -> memref<1000000x32xf32, #tpu.memory_space<hbm>>
    tpu.enqueue_indirect_dma source(%dma_start3A_91 : memref<1000000x32xf32, #tpu.memory_space<hbm>>) target(%arg7 : memref<320x32xf32, #tpu.memory_space<vmem>>) offsets(%dma_start3A_88 : memref<320xi32, #tpu.memory_space<vmem>>) semaphore(%arg11 : memref<!tpu.dma_semaphore, #tpu.memory_space<semaphore_mem>>)
    %dma_wait3A_92 = arith.constant 0 : i32
    %dma_wait3A_93 = tpu.memref_slice %arg4[%multiple_of3A, %dma_wait3A_92] : memref<819200x32xf32, #tpu.memory_space<hbm>> -> memref<320x32xf32, #tpu.memory_space<hbm>>
    %dma_wait3A_94 = arith.constant 0 : i32
    %dma_wait3A_95 = tpu.memref_slice %arg4[%multiple_of3A, %dma_wait3A_94] : memref<819200x32xf32, #tpu.memory_space<hbm>> -> memref<320x32xf32, #tpu.memory_space<hbm>>
    tpu.wait_dma2 semaphore(%arg13 : memref<!tpu.dma_semaphore, #tpu.memory_space<semaphore_mem>>) src(%dma_wait3A_95 : memref<320x32xf32, #tpu.memory_space<hbm>>) dst(%arg9 : memref<320x32xf32, #tpu.memory_space<vmem>>)
    %multiple_of3A_96 = arith.constant 960 : i32
    %multiple_of3A_97 = tpu.assume_multiple %multiple_of3A_96, 8 : i32
    %add3A_98 = arith.addi %multiple_of3A, %multiple_of3A_97 : i32
    %dma_start3A_99 = arith.constant 0 : i32
    %dma_start3A_100 = tpu.memref_slice %arg4[%add3A_98, %dma_start3A_99] : memref<819200x32xf32, #tpu.memory_space<hbm>> -> memref<320x32xf32, #tpu.memory_space<hbm>>
    %dma_start3A_101 = arith.constant 0 : i32
    %dma_start3A_102 = tpu.memref_slice %arg4[%add3A_98, %dma_start3A_101] : memref<819200x32xf32, #tpu.memory_space<hbm>> -> memref<320x32xf32, #tpu.memory_space<hbm>>
    tpu.enqueue_dma source(%arg9 : memref<320x32xf32, #tpu.memory_space<vmem>>) target(%dma_start3A_102 : memref<320x32xf32, #tpu.memory_space<hbm>>) target_semaphore(%arg17 : memref<!tpu.dma_semaphore, #tpu.memory_space<semaphore_mem>>)
    %dma_wait3A_103 = arith.constant 0 : i32
    %dma_wait3A_104 = tpu.memref_slice %arg4[%multiple_of3A, %dma_wait3A_103] : memref<819200x32xf32, #tpu.memory_space<hbm>> -> memref<320x32xf32, #tpu.memory_space<hbm>>
    %dma_wait3A_105 = arith.constant 0 : i32
    %dma_wait3A_106 = tpu.memref_slice %arg4[%multiple_of3A, %dma_wait3A_105] : memref<819200x32xf32, #tpu.memory_space<hbm>> -> memref<320x32xf32, #tpu.memory_space<hbm>>
    tpu.wait_dma2 semaphore(%arg16 : memref<!tpu.dma_semaphore, #tpu.memory_space<semaphore_mem>>) src(%arg8 : memref<320x32xf32, #tpu.memory_space<vmem>>) dst(%dma_wait3A_106 : memref<320x32xf32, #tpu.memory_space<hbm>>)
    %multiple_of3A_107 = arith.constant 1920 : i32
    %multiple_of3A_108 = tpu.assume_multiple %multiple_of3A_107, 8 : i32
    %dma_start3A_109 = tpu.memref_slice %arg5[%multiple_of3A_108] : memref<25600xi32, #tpu.memory_space<vmem>> -> memref<320xi32, #tpu.memory_space<vmem>>
    %dma_start3A_110 = arith.constant 0 : i32
    %dma_start3A_111 = arith.constant 0 : i32
    %dma_start3A_112 = tpu.memref_slice %arg3[%dma_start3A_110, %dma_start3A_111] : memref<1000000x32xf32, #tpu.memory_space<hbm>> -> memref<1000000x32xf32, #tpu.memory_space<hbm>>
    tpu.enqueue_indirect_dma source(%dma_start3A_112 : memref<1000000x32xf32, #tpu.memory_space<hbm>>) target(%arg8 : memref<320x32xf32, #tpu.memory_space<vmem>>) offsets(%dma_start3A_109 : memref<320xi32, #tpu.memory_space<vmem>>) semaphore(%arg12 : memref<!tpu.dma_semaphore, #tpu.memory_space<semaphore_mem>>)
    %scan3A = arith.constant 0 : i32
    %scan3A_113 = arith.constant 1 : i32
    %scan3A_114 = arith.constant 18 : i32
    %scan3A_115 = arith.addi %scan3A_113, %scan3A_114 : i32
    %scan3A_116 = arith.constant 1 : i32
    scf.for %scan3A_188 = %scan3A_113 to %scan3A_115 step %scan3A_116  : i32 {
      %mul3A_189 = arith.constant 4 : i32
      %mul3A_190 = arith.muli %scan3A_188, %mul3A_189 : i32
      %add3A_191 = arith.constant 0 : i32
      %add3A_192 = arith.addi %mul3A_190, %add3A_191 : i32
      %dma_wait3A_193 = arith.constant 0 : i32
      %dma_wait3A_194 = tpu.memref_slice %arg4[%multiple_of3A, %dma_wait3A_193] : memref<819200x32xf32, #tpu.memory_space<hbm>> -> memref<320x32xf32, #tpu.memory_space<hbm>>
      %dma_wait3A_195 = arith.constant 0 : i32
      %dma_wait3A_196 = tpu.memref_slice %arg4[%multiple_of3A, %dma_wait3A_195] : memref<819200x32xf32, #tpu.memory_space<hbm>> -> memref<320x32xf32, #tpu.memory_space<hbm>>
      tpu.wait_dma2 semaphore(%arg10 : memref<!tpu.dma_semaphore, #tpu.memory_space<semaphore_mem>>) src(%dma_wait3A_196 : memref<320x32xf32, #tpu.memory_space<hbm>>) dst(%arg6 : memref<320x32xf32, #tpu.memory_space<vmem>>)
      %mul3A_197 = arith.constant 320 : i32
      %mul3A_198 = arith.muli %add3A_192, %mul3A_197 : i32
      %multiple_of3A_199 = tpu.assume_multiple %mul3A_198, 8 : i32
      %add3A_200 = arith.addi %multiple_of3A, %multiple_of3A_199 : i32
      %dma_start3A_201 = arith.constant 0 : i32
      %dma_start3A_202 = tpu.memref_slice %arg4[%add3A_200, %dma_start3A_201] : memref<819200x32xf32, #tpu.memory_space<hbm>> -> memref<320x32xf32, #tpu.memory_space<hbm>>
      %dma_start3A_203 = arith.constant 0 : i32
      %dma_start3A_204 = tpu.memref_slice %arg4[%add3A_200, %dma_start3A_203] : memref<819200x32xf32, #tpu.memory_space<hbm>> -> memref<320x32xf32, #tpu.memory_space<hbm>>
      tpu.enqueue_dma source(%arg6 : memref<320x32xf32, #tpu.memory_space<vmem>>) target(%dma_start3A_204 : memref<320x32xf32, #tpu.memory_space<hbm>>) target_semaphore(%arg14 : memref<!tpu.dma_semaphore, #tpu.memory_space<semaphore_mem>>)
      %dma_wait3A_205 = arith.constant 0 : i32
      %dma_wait3A_206 = tpu.memref_slice %arg4[%multiple_of3A, %dma_wait3A_205] : memref<819200x32xf32, #tpu.memory_space<hbm>> -> memref<320x32xf32, #tpu.memory_space<hbm>>
      %dma_wait3A_207 = arith.constant 0 : i32
      %dma_wait3A_208 = tpu.memref_slice %arg4[%multiple_of3A, %dma_wait3A_207] : memref<819200x32xf32, #tpu.memory_space<hbm>> -> memref<320x32xf32, #tpu.memory_space<hbm>>
      tpu.wait_dma2 semaphore(%arg17 : memref<!tpu.dma_semaphore, #tpu.memory_space<semaphore_mem>>) src(%arg9 : memref<320x32xf32, #tpu.memory_space<vmem>>) dst(%dma_wait3A_208 : memref<320x32xf32, #tpu.memory_space<hbm>>)
      %add3A_209 = arith.constant 4 : i32
      %add3A_210 = arith.addi %add3A_192, %add3A_209 : i32
      %sub3A = arith.constant 1 : i32
      %sub3A_211 = arith.subi %add3A_210, %sub3A : i32
      %mul3A_212 = arith.constant 320 : i32
      %mul3A_213 = arith.muli %sub3A_211, %mul3A_212 : i32
      %multiple_of3A_214 = tpu.assume_multiple %mul3A_213, 8 : i32
      %dma_start3A_215 = tpu.memref_slice %arg5[%multiple_of3A_214] : memref<25600xi32, #tpu.memory_space<vmem>> -> memref<320xi32, #tpu.memory_space<vmem>>
      %dma_start3A_216 = arith.constant 0 : i32
      %dma_start3A_217 = arith.constant 0 : i32
      %dma_start3A_218 = tpu.memref_slice %arg3[%dma_start3A_216, %dma_start3A_217] : memref<1000000x32xf32, #tpu.memory_space<hbm>> -> memref<1000000x32xf32, #tpu.memory_space<hbm>>
      tpu.enqueue_indirect_dma source(%dma_start3A_218 : memref<1000000x32xf32, #tpu.memory_space<hbm>>) target(%arg9 : memref<320x32xf32, #tpu.memory_space<vmem>>) offsets(%dma_start3A_215 : memref<320xi32, #tpu.memory_space<vmem>>) semaphore(%arg13 : memref<!tpu.dma_semaphore, #tpu.memory_space<semaphore_mem>>)
      %mul3A_219 = arith.constant 4 : i32
      %mul3A_220 = arith.muli %scan3A_188, %mul3A_219 : i32
      %add3A_221 = arith.constant 1 : i32
      %add3A_222 = arith.addi %mul3A_220, %add3A_221 : i32
      %dma_wait3A_223 = arith.constant 0 : i32
      %dma_wait3A_224 = tpu.memref_slice %arg4[%multiple_of3A, %dma_wait3A_223] : memref<819200x32xf32, #tpu.memory_space<hbm>> -> memref<320x32xf32, #tpu.memory_space<hbm>>
      %dma_wait3A_225 = arith.constant 0 : i32
      %dma_wait3A_226 = tpu.memref_slice %arg4[%multiple_of3A, %dma_wait3A_225] : memref<819200x32xf32, #tpu.memory_space<hbm>> -> memref<320x32xf32, #tpu.memory_space<hbm>>
      tpu.wait_dma2 semaphore(%arg11 : memref<!tpu.dma_semaphore, #tpu.memory_space<semaphore_mem>>) src(%dma_wait3A_226 : memref<320x32xf32, #tpu.memory_space<hbm>>) dst(%arg7 : memref<320x32xf32, #tpu.memory_space<vmem>>)
      %mul3A_227 = arith.constant 320 : i32
      %mul3A_228 = arith.muli %add3A_222, %mul3A_227 : i32
      %multiple_of3A_229 = tpu.assume_multiple %mul3A_228, 8 : i32
      %add3A_230 = arith.addi %multiple_of3A, %multiple_of3A_229 : i32
      %dma_start3A_231 = arith.constant 0 : i32
      %dma_start3A_232 = tpu.memref_slice %arg4[%add3A_230, %dma_start3A_231] : memref<819200x32xf32, #tpu.memory_space<hbm>> -> memref<320x32xf32, #tpu.memory_space<hbm>>
      %dma_start3A_233 = arith.constant 0 : i32
      %dma_start3A_234 = tpu.memref_slice %arg4[%add3A_230, %dma_start3A_233] : memref<819200x32xf32, #tpu.memory_space<hbm>> -> memref<320x32xf32, #tpu.memory_space<hbm>>
      tpu.enqueue_dma source(%arg7 : memref<320x32xf32, #tpu.memory_space<vmem>>) target(%dma_start3A_234 : memref<320x32xf32, #tpu.memory_space<hbm>>) target_semaphore(%arg15 : memref<!tpu.dma_semaphore, #tpu.memory_space<semaphore_mem>>)
      %dma_wait3A_235 = arith.constant 0 : i32
      %dma_wait3A_236 = tpu.memref_slice %arg4[%multiple_of3A, %dma_wait3A_235] : memref<819200x32xf32, #tpu.memory_space<hbm>> -> memref<320x32xf32, #tpu.memory_space<hbm>>
      %dma_wait3A_237 = arith.constant 0 : i32
      %dma_wait3A_238 = tpu.memref_slice %arg4[%multiple_of3A, %dma_wait3A_237] : memref<819200x32xf32, #tpu.memory_space<hbm>> -> memref<320x32xf32, #tpu.memory_space<hbm>>
      tpu.wait_dma2 semaphore(%arg14 : memref<!tpu.dma_semaphore, #tpu.memory_space<semaphore_mem>>) src(%arg6 : memref<320x32xf32, #tpu.memory_space<vmem>>) dst(%dma_wait3A_238 : memref<320x32xf32, #tpu.memory_space<hbm>>)
      %add3A_239 = arith.constant 4 : i32
      %add3A_240 = arith.addi %add3A_222, %add3A_239 : i32
      %sub3A_241 = arith.constant 1 : i32
      %sub3A_242 = arith.subi %add3A_240, %sub3A_241 : i32
      %mul3A_243 = arith.constant 320 : i32
      %mul3A_244 = arith.muli %sub3A_242, %mul3A_243 : i32
      %multiple_of3A_245 = tpu.assume_multiple %mul3A_244, 8 : i32
      %dma_start3A_246 = tpu.memref_slice %arg5[%multiple_of3A_245] : memref<25600xi32, #tpu.memory_space<vmem>> -> memref<320xi32, #tpu.memory_space<vmem>>
      %dma_start3A_247 = arith.constant 0 : i32
      %dma_start3A_248 = arith.constant 0 : i32
      %dma_start3A_249 = tpu.memref_slice %arg3[%dma_start3A_247, %dma_start3A_248] : memref<1000000x32xf32, #tpu.memory_space<hbm>> -> memref<1000000x32xf32, #tpu.memory_space<hbm>>
      tpu.enqueue_indirect_dma source(%dma_start3A_249 : memref<1000000x32xf32, #tpu.memory_space<hbm>>) target(%arg6 : memref<320x32xf32, #tpu.memory_space<vmem>>) offsets(%dma_start3A_246 : memref<320xi32, #tpu.memory_space<vmem>>) semaphore(%arg10 : memref<!tpu.dma_semaphore, #tpu.memory_space<semaphore_mem>>)
      %mul3A_250 = arith.constant 4 : i32
      %mul3A_251 = arith.muli %scan3A_188, %mul3A_250 : i32
      %add3A_252 = arith.constant 2 : i32
      %add3A_253 = arith.addi %mul3A_251, %add3A_252 : i32
      %dma_wait3A_254 = arith.constant 0 : i32
      %dma_wait3A_255 = tpu.memref_slice %arg4[%multiple_of3A, %dma_wait3A_254] : memref<819200x32xf32, #tpu.memory_space<hbm>> -> memref<320x32xf32, #tpu.memory_space<hbm>>
      %dma_wait3A_256 = arith.constant 0 : i32
      %dma_wait3A_257 = tpu.memref_slice %arg4[%multiple_of3A, %dma_wait3A_256] : memref<819200x32xf32, #tpu.memory_space<hbm>> -> memref<320x32xf32, #tpu.memory_space<hbm>>
      tpu.wait_dma2 semaphore(%arg12 : memref<!tpu.dma_semaphore, #tpu.memory_space<semaphore_mem>>) src(%dma_wait3A_257 : memref<320x32xf32, #tpu.memory_space<hbm>>) dst(%arg8 : memref<320x32xf32, #tpu.memory_space<vmem>>)
      %mul3A_258 = arith.constant 320 : i32
      %mul3A_259 = arith.muli %add3A_253, %mul3A_258 : i32
      %multiple_of3A_260 = tpu.assume_multiple %mul3A_259, 8 : i32
      %add3A_261 = arith.addi %multiple_of3A, %multiple_of3A_260 : i32
      %dma_start3A_262 = arith.constant 0 : i32
      %dma_start3A_263 = tpu.memref_slice %arg4[%add3A_261, %dma_start3A_262] : memref<819200x32xf32, #tpu.memory_space<hbm>> -> memref<320x32xf32, #tpu.memory_space<hbm>>
      %dma_start3A_264 = arith.constant 0 : i32
      %dma_start3A_265 = tpu.memref_slice %arg4[%add3A_261, %dma_start3A_264] : memref<819200x32xf32, #tpu.memory_space<hbm>> -> memref<320x32xf32, #tpu.memory_space<hbm>>
      tpu.enqueue_dma source(%arg8 : memref<320x32xf32, #tpu.memory_space<vmem>>) target(%dma_start3A_265 : memref<320x32xf32, #tpu.memory_space<hbm>>) target_semaphore(%arg16 : memref<!tpu.dma_semaphore, #tpu.memory_space<semaphore_mem>>)
      %dma_wait3A_266 = arith.constant 0 : i32
      %dma_wait3A_267 = tpu.memref_slice %arg4[%multiple_of3A, %dma_wait3A_266] : memref<819200x32xf32, #tpu.memory_space<hbm>> -> memref<320x32xf32, #tpu.memory_space<hbm>>
      %dma_wait3A_268 = arith.constant 0 : i32
      %dma_wait3A_269 = tpu.memref_slice %arg4[%multiple_of3A, %dma_wait3A_268] : memref<819200x32xf32, #tpu.memory_space<hbm>> -> memref<320x32xf32, #tpu.memory_space<hbm>>
      tpu.wait_dma2 semaphore(%arg15 : memref<!tpu.dma_semaphore, #tpu.memory_space<semaphore_mem>>) src(%arg7 : memref<320x32xf32, #tpu.memory_space<vmem>>) dst(%dma_wait3A_269 : memref<320x32xf32, #tpu.memory_space<hbm>>)
      %add3A_270 = arith.constant 4 : i32
      %add3A_271 = arith.addi %add3A_253, %add3A_270 : i32
      %sub3A_272 = arith.constant 1 : i32
      %sub3A_273 = arith.subi %add3A_271, %sub3A_272 : i32
      %mul3A_274 = arith.constant 320 : i32
      %mul3A_275 = arith.muli %sub3A_273, %mul3A_274 : i32
      %multiple_of3A_276 = tpu.assume_multiple %mul3A_275, 8 : i32
      %dma_start3A_277 = tpu.memref_slice %arg5[%multiple_of3A_276] : memref<25600xi32, #tpu.memory_space<vmem>> -> memref<320xi32, #tpu.memory_space<vmem>>
      %dma_start3A_278 = arith.constant 0 : i32
      %dma_start3A_279 = arith.constant 0 : i32
      %dma_start3A_280 = tpu.memref_slice %arg3[%dma_start3A_278, %dma_start3A_279] : memref<1000000x32xf32, #tpu.memory_space<hbm>> -> memref<1000000x32xf32, #tpu.memory_space<hbm>>
      tpu.enqueue_indirect_dma source(%dma_start3A_280 : memref<1000000x32xf32, #tpu.memory_space<hbm>>) target(%arg7 : memref<320x32xf32, #tpu.memory_space<vmem>>) offsets(%dma_start3A_277 : memref<320xi32, #tpu.memory_space<vmem>>) semaphore(%arg11 : memref<!tpu.dma_semaphore, #tpu.memory_space<semaphore_mem>>)
      %mul3A_281 = arith.constant 4 : i32
      %mul3A_282 = arith.muli %scan3A_188, %mul3A_281 : i32
      %add3A_283 = arith.constant 3 : i32
      %add3A_284 = arith.addi %mul3A_282, %add3A_283 : i32
      %dma_wait3A_285 = arith.constant 0 : i32
      %dma_wait3A_286 = tpu.memref_slice %arg4[%multiple_of3A, %dma_wait3A_285] : memref<819200x32xf32, #tpu.memory_space<hbm>> -> memref<320x32xf32, #tpu.memory_space<hbm>>
      %dma_wait3A_287 = arith.constant 0 : i32
      %dma_wait3A_288 = tpu.memref_slice %arg4[%multiple_of3A, %dma_wait3A_287] : memref<819200x32xf32, #tpu.memory_space<hbm>> -> memref<320x32xf32, #tpu.memory_space<hbm>>
      tpu.wait_dma2 semaphore(%arg13 : memref<!tpu.dma_semaphore, #tpu.memory_space<semaphore_mem>>) src(%dma_wait3A_288 : memref<320x32xf32, #tpu.memory_space<hbm>>) dst(%arg9 : memref<320x32xf32, #tpu.memory_space<vmem>>)
      %mul3A_289 = arith.constant 320 : i32
      %mul3A_290 = arith.muli %add3A_284, %mul3A_289 : i32
      %multiple_of3A_291 = tpu.assume_multiple %mul3A_290, 8 : i32
      %add3A_292 = arith.addi %multiple_of3A, %multiple_of3A_291 : i32
      %dma_start3A_293 = arith.constant 0 : i32
      %dma_start3A_294 = tpu.memref_slice %arg4[%add3A_292, %dma_start3A_293] : memref<819200x32xf32, #tpu.memory_space<hbm>> -> memref<320x32xf32, #tpu.memory_space<hbm>>
      %dma_start3A_295 = arith.constant 0 : i32
      %dma_start3A_296 = tpu.memref_slice %arg4[%add3A_292, %dma_start3A_295] : memref<819200x32xf32, #tpu.memory_space<hbm>> -> memref<320x32xf32, #tpu.memory_space<hbm>>
      tpu.enqueue_dma source(%arg9 : memref<320x32xf32, #tpu.memory_space<vmem>>) target(%dma_start3A_296 : memref<320x32xf32, #tpu.memory_space<hbm>>) target_semaphore(%arg17 : memref<!tpu.dma_semaphore, #tpu.memory_space<semaphore_mem>>)
      %dma_wait3A_297 = arith.constant 0 : i32
      %dma_wait3A_298 = tpu.memref_slice %arg4[%multiple_of3A, %dma_wait3A_297] : memref<819200x32xf32, #tpu.memory_space<hbm>> -> memref<320x32xf32, #tpu.memory_space<hbm>>
      %dma_wait3A_299 = arith.constant 0 : i32
      %dma_wait3A_300 = tpu.memref_slice %arg4[%multiple_of3A, %dma_wait3A_299] : memref<819200x32xf32, #tpu.memory_space<hbm>> -> memref<320x32xf32, #tpu.memory_space<hbm>>
      tpu.wait_dma2 semaphore(%arg16 : memref<!tpu.dma_semaphore, #tpu.memory_space<semaphore_mem>>) src(%arg8 : memref<320x32xf32, #tpu.memory_space<vmem>>) dst(%dma_wait3A_300 : memref<320x32xf32, #tpu.memory_space<hbm>>)
      %add3A_301 = arith.constant 4 : i32
      %add3A_302 = arith.addi %add3A_284, %add3A_301 : i32
      %sub3A_303 = arith.constant 1 : i32
      %sub3A_304 = arith.subi %add3A_302, %sub3A_303 : i32
      %mul3A_305 = arith.constant 320 : i32
      %mul3A_306 = arith.muli %sub3A_304, %mul3A_305 : i32
      %multiple_of3A_307 = tpu.assume_multiple %mul3A_306, 8 : i32
      %dma_start3A_308 = tpu.memref_slice %arg5[%multiple_of3A_307] : memref<25600xi32, #tpu.memory_space<vmem>> -> memref<320xi32, #tpu.memory_space<vmem>>
      %dma_start3A_309 = arith.constant 0 : i32
      %dma_start3A_310 = arith.constant 0 : i32
      %dma_start3A_311 = tpu.memref_slice %arg3[%dma_start3A_309, %dma_start3A_310] : memref<1000000x32xf32, #tpu.memory_space<hbm>> -> memref<1000000x32xf32, #tpu.memory_space<hbm>>
      tpu.enqueue_indirect_dma source(%dma_start3A_311 : memref<1000000x32xf32, #tpu.memory_space<hbm>>) target(%arg8 : memref<320x32xf32, #tpu.memory_space<vmem>>) offsets(%dma_start3A_308 : memref<320xi32, #tpu.memory_space<vmem>>) semaphore(%arg12 : memref<!tpu.dma_semaphore, #tpu.memory_space<semaphore_mem>>)
    }
    %scan3A_117 = arith.constant 18 : i32
    %dma_wait3A_118 = arith.constant 0 : i32
    %dma_wait3A_119 = tpu.memref_slice %arg4[%multiple_of3A, %dma_wait3A_118] : memref<819200x32xf32, #tpu.memory_space<hbm>> -> memref<320x32xf32, #tpu.memory_space<hbm>>
    %dma_wait3A_120 = arith.constant 0 : i32
    %dma_wait3A_121 = tpu.memref_slice %arg4[%multiple_of3A, %dma_wait3A_120] : memref<819200x32xf32, #tpu.memory_space<hbm>> -> memref<320x32xf32, #tpu.memory_space<hbm>>
    tpu.wait_dma2 semaphore(%arg10 : memref<!tpu.dma_semaphore, #tpu.memory_space<semaphore_mem>>) src(%dma_wait3A_121 : memref<320x32xf32, #tpu.memory_space<hbm>>) dst(%arg6 : memref<320x32xf32, #tpu.memory_space<vmem>>)
    %multiple_of3A_122 = arith.constant 24320 : i32
    %multiple_of3A_123 = tpu.assume_multiple %multiple_of3A_122, 8 : i32
    %add3A_124 = arith.addi %multiple_of3A, %multiple_of3A_123 : i32
    %dma_start3A_125 = arith.constant 0 : i32
    %dma_start3A_126 = tpu.memref_slice %arg4[%add3A_124, %dma_start3A_125] : memref<819200x32xf32, #tpu.memory_space<hbm>> -> memref<320x32xf32, #tpu.memory_space<hbm>>
    %dma_start3A_127 = arith.constant 0 : i32
    %dma_start3A_128 = tpu.memref_slice %arg4[%add3A_124, %dma_start3A_127] : memref<819200x32xf32, #tpu.memory_space<hbm>> -> memref<320x32xf32, #tpu.memory_space<hbm>>
    tpu.enqueue_dma source(%arg6 : memref<320x32xf32, #tpu.memory_space<vmem>>) target(%dma_start3A_128 : memref<320x32xf32, #tpu.memory_space<hbm>>) target_semaphore(%arg14 : memref<!tpu.dma_semaphore, #tpu.memory_space<semaphore_mem>>)
    %dma_wait3A_129 = arith.constant 0 : i32
    %dma_wait3A_130 = tpu.memref_slice %arg4[%multiple_of3A, %dma_wait3A_129] : memref<819200x32xf32, #tpu.memory_space<hbm>> -> memref<320x32xf32, #tpu.memory_space<hbm>>
    %dma_wait3A_131 = arith.constant 0 : i32
    %dma_wait3A_132 = tpu.memref_slice %arg4[%multiple_of3A, %dma_wait3A_131] : memref<819200x32xf32, #tpu.memory_space<hbm>> -> memref<320x32xf32, #tpu.memory_space<hbm>>
    tpu.wait_dma2 semaphore(%arg17 : memref<!tpu.dma_semaphore, #tpu.memory_space<semaphore_mem>>) src(%arg9 : memref<320x32xf32, #tpu.memory_space<vmem>>) dst(%dma_wait3A_132 : memref<320x32xf32, #tpu.memory_space<hbm>>)
    %multiple_of3A_133 = arith.constant 25280 : i32
    %multiple_of3A_134 = tpu.assume_multiple %multiple_of3A_133, 8 : i32
    %dma_start3A_135 = tpu.memref_slice %arg5[%multiple_of3A_134] : memref<25600xi32, #tpu.memory_space<vmem>> -> memref<320xi32, #tpu.memory_space<vmem>>
    %dma_start3A_136 = arith.constant 0 : i32
    %dma_start3A_137 = arith.constant 0 : i32
    %dma_start3A_138 = tpu.memref_slice %arg3[%dma_start3A_136, %dma_start3A_137] : memref<1000000x32xf32, #tpu.memory_space<hbm>> -> memref<1000000x32xf32, #tpu.memory_space<hbm>>
    tpu.enqueue_indirect_dma source(%dma_start3A_138 : memref<1000000x32xf32, #tpu.memory_space<hbm>>) target(%arg9 : memref<320x32xf32, #tpu.memory_space<vmem>>) offsets(%dma_start3A_135 : memref<320xi32, #tpu.memory_space<vmem>>) semaphore(%arg13 : memref<!tpu.dma_semaphore, #tpu.memory_space<semaphore_mem>>)
    %dma_wait3A_139 = arith.constant 0 : i32
    %dma_wait3A_140 = tpu.memref_slice %arg4[%multiple_of3A, %dma_wait3A_139] : memref<819200x32xf32, #tpu.memory_space<hbm>> -> memref<320x32xf32, #tpu.memory_space<hbm>>
    %dma_wait3A_141 = arith.constant 0 : i32
    %dma_wait3A_142 = tpu.memref_slice %arg4[%multiple_of3A, %dma_wait3A_141] : memref<819200x32xf32, #tpu.memory_space<hbm>> -> memref<320x32xf32, #tpu.memory_space<hbm>>
    tpu.wait_dma2 semaphore(%arg11 : memref<!tpu.dma_semaphore, #tpu.memory_space<semaphore_mem>>) src(%dma_wait3A_142 : memref<320x32xf32, #tpu.memory_space<hbm>>) dst(%arg7 : memref<320x32xf32, #tpu.memory_space<vmem>>)
    %multiple_of3A_143 = arith.constant 24640 : i32
    %multiple_of3A_144 = tpu.assume_multiple %multiple_of3A_143, 8 : i32
    %add3A_145 = arith.addi %multiple_of3A, %multiple_of3A_144 : i32
    %dma_start3A_146 = arith.constant 0 : i32
    %dma_start3A_147 = tpu.memref_slice %arg4[%add3A_145, %dma_start3A_146] : memref<819200x32xf32, #tpu.memory_space<hbm>> -> memref<320x32xf32, #tpu.memory_space<hbm>>
    %dma_start3A_148 = arith.constant 0 : i32
    %dma_start3A_149 = tpu.memref_slice %arg4[%add3A_145, %dma_start3A_148] : memref<819200x32xf32, #tpu.memory_space<hbm>> -> memref<320x32xf32, #tpu.memory_space<hbm>>
    tpu.enqueue_dma source(%arg7 : memref<320x32xf32, #tpu.memory_space<vmem>>) target(%dma_start3A_149 : memref<320x32xf32, #tpu.memory_space<hbm>>) target_semaphore(%arg15 : memref<!tpu.dma_semaphore, #tpu.memory_space<semaphore_mem>>)
    %dma_wait3A_150 = arith.constant 0 : i32
    %dma_wait3A_151 = tpu.memref_slice %arg4[%multiple_of3A, %dma_wait3A_150] : memref<819200x32xf32, #tpu.memory_space<hbm>> -> memref<320x32xf32, #tpu.memory_space<hbm>>
    %dma_wait3A_152 = arith.constant 0 : i32
    %dma_wait3A_153 = tpu.memref_slice %arg4[%multiple_of3A, %dma_wait3A_152] : memref<819200x32xf32, #tpu.memory_space<hbm>> -> memref<320x32xf32, #tpu.memory_space<hbm>>
    tpu.wait_dma2 semaphore(%arg12 : memref<!tpu.dma_semaphore, #tpu.memory_space<semaphore_mem>>) src(%dma_wait3A_153 : memref<320x32xf32, #tpu.memory_space<hbm>>) dst(%arg8 : memref<320x32xf32, #tpu.memory_space<vmem>>)
    %multiple_of3A_154 = arith.constant 24960 : i32
    %multiple_of3A_155 = tpu.assume_multiple %multiple_of3A_154, 8 : i32
    %add3A_156 = arith.addi %multiple_of3A, %multiple_of3A_155 : i32
    %dma_start3A_157 = arith.constant 0 : i32
    %dma_start3A_158 = tpu.memref_slice %arg4[%add3A_156, %dma_start3A_157] : memref<819200x32xf32, #tpu.memory_space<hbm>> -> memref<320x32xf32, #tpu.memory_space<hbm>>
    %dma_start3A_159 = arith.constant 0 : i32
    %dma_start3A_160 = tpu.memref_slice %arg4[%add3A_156, %dma_start3A_159] : memref<819200x32xf32, #tpu.memory_space<hbm>> -> memref<320x32xf32, #tpu.memory_space<hbm>>
    tpu.enqueue_dma source(%arg8 : memref<320x32xf32, #tpu.memory_space<vmem>>) target(%dma_start3A_160 : memref<320x32xf32, #tpu.memory_space<hbm>>) target_semaphore(%arg16 : memref<!tpu.dma_semaphore, #tpu.memory_space<semaphore_mem>>)
    %dma_wait3A_161 = arith.constant 0 : i32
    %dma_wait3A_162 = tpu.memref_slice %arg4[%multiple_of3A, %dma_wait3A_161] : memref<819200x32xf32, #tpu.memory_space<hbm>> -> memref<320x32xf32, #tpu.memory_space<hbm>>
    %dma_wait3A_163 = arith.constant 0 : i32
    %dma_wait3A_164 = tpu.memref_slice %arg4[%multiple_of3A, %dma_wait3A_163] : memref<819200x32xf32, #tpu.memory_space<hbm>> -> memref<320x32xf32, #tpu.memory_space<hbm>>
    tpu.wait_dma2 semaphore(%arg13 : memref<!tpu.dma_semaphore, #tpu.memory_space<semaphore_mem>>) src(%dma_wait3A_164 : memref<320x32xf32, #tpu.memory_space<hbm>>) dst(%arg9 : memref<320x32xf32, #tpu.memory_space<vmem>>)
    %multiple_of3A_165 = arith.constant 25280 : i32
    %multiple_of3A_166 = tpu.assume_multiple %multiple_of3A_165, 8 : i32
    %add3A_167 = arith.addi %multiple_of3A, %multiple_of3A_166 : i32
    %dma_start3A_168 = arith.constant 0 : i32
    %dma_start3A_169 = tpu.memref_slice %arg4[%add3A_167, %dma_start3A_168] : memref<819200x32xf32, #tpu.memory_space<hbm>> -> memref<320x32xf32, #tpu.memory_space<hbm>>
    %dma_start3A_170 = arith.constant 0 : i32
    %dma_start3A_171 = tpu.memref_slice %arg4[%add3A_167, %dma_start3A_170] : memref<819200x32xf32, #tpu.memory_space<hbm>> -> memref<320x32xf32, #tpu.memory_space<hbm>>
    tpu.enqueue_dma source(%arg9 : memref<320x32xf32, #tpu.memory_space<vmem>>) target(%dma_start3A_171 : memref<320x32xf32, #tpu.memory_space<hbm>>) target_semaphore(%arg17 : memref<!tpu.dma_semaphore, #tpu.memory_space<semaphore_mem>>)
    %dma_wait3A_172 = arith.constant 0 : i32
    %dma_wait3A_173 = tpu.memref_slice %arg4[%multiple_of3A, %dma_wait3A_172] : memref<819200x32xf32, #tpu.memory_space<hbm>> -> memref<320x32xf32, #tpu.memory_space<hbm>>
    %dma_wait3A_174 = arith.constant 0 : i32
    %dma_wait3A_175 = tpu.memref_slice %arg4[%multiple_of3A, %dma_wait3A_174] : memref<819200x32xf32, #tpu.memory_space<hbm>> -> memref<320x32xf32, #tpu.memory_space<hbm>>
    tpu.wait_dma2 semaphore(%arg14 : memref<!tpu.dma_semaphore, #tpu.memory_space<semaphore_mem>>) src(%arg6 : memref<320x32xf32, #tpu.memory_space<vmem>>) dst(%dma_wait3A_175 : memref<320x32xf32, #tpu.memory_space<hbm>>)
    %dma_wait3A_176 = arith.constant 0 : i32
    %dma_wait3A_177 = tpu.memref_slice %arg4[%multiple_of3A, %dma_wait3A_176] : memref<819200x32xf32, #tpu.memory_space<hbm>> -> memref<320x32xf32, #tpu.memory_space<hbm>>
    %dma_wait3A_178 = arith.constant 0 : i32
    %dma_wait3A_179 = tpu.memref_slice %arg4[%multiple_of3A, %dma_wait3A_178] : memref<819200x32xf32, #tpu.memory_space<hbm>> -> memref<320x32xf32, #tpu.memory_space<hbm>>
    tpu.wait_dma2 semaphore(%arg15 : memref<!tpu.dma_semaphore, #tpu.memory_space<semaphore_mem>>) src(%arg7 : memref<320x32xf32, #tpu.memory_space<vmem>>) dst(%dma_wait3A_179 : memref<320x32xf32, #tpu.memory_space<hbm>>)
    %dma_wait3A_180 = arith.constant 0 : i32
    %dma_wait3A_181 = tpu.memref_slice %arg4[%multiple_of3A, %dma_wait3A_180] : memref<819200x32xf32, #tpu.memory_space<hbm>> -> memref<320x32xf32, #tpu.memory_space<hbm>>
    %dma_wait3A_182 = arith.constant 0 : i32
    %dma_wait3A_183 = tpu.memref_slice %arg4[%multiple_of3A, %dma_wait3A_182] : memref<819200x32xf32, #tpu.memory_space<hbm>> -> memref<320x32xf32, #tpu.memory_space<hbm>>
    tpu.wait_dma2 semaphore(%arg16 : memref<!tpu.dma_semaphore, #tpu.memory_space<semaphore_mem>>) src(%arg8 : memref<320x32xf32, #tpu.memory_space<vmem>>) dst(%dma_wait3A_183 : memref<320x32xf32, #tpu.memory_space<hbm>>)
    %dma_wait3A_184 = arith.constant 0 : i32
    %dma_wait3A_185 = tpu.memref_slice %arg4[%multiple_of3A, %dma_wait3A_184] : memref<819200x32xf32, #tpu.memory_space<hbm>> -> memref<320x32xf32, #tpu.memory_space<hbm>>
    %dma_wait3A_186 = arith.constant 0 : i32
    %dma_wait3A_187 = tpu.memref_slice %arg4[%multiple_of3A, %dma_wait3A_186] : memref<819200x32xf32, #tpu.memory_space<hbm>> -> memref<320x32xf32, #tpu.memory_space<hbm>>
    tpu.wait_dma2 semaphore(%arg17 : memref<!tpu.dma_semaphore, #tpu.memory_space<semaphore_mem>>) src(%arg9 : memref<320x32xf32, #tpu.memory_space<vmem>>) dst(%dma_wait3A_187 : memref<320x32xf32, #tpu.memory_space<hbm>>)
    return
  }
}

</mosaic_0001>

<sc_bundles>
// kernel: kernel.3.cloned.1.call-start
scs
__scs_entry_jumppad:
0x0: {  	(pc) =	sbr.rel $0x88, $3  }
0x1: {  	(tag) =	ssettag $0x0;
	lr =	simm.s32 $0x1  }
0x2: {  	[smem:$0x3F9F] =	sst lr;
	_ =	strace $0xD0000000  }
0x3: {  	_ = 	snop  }
0x4: {  	_ = 	snop  }
0x5: {  	_ = 	snop  }
0x6: {  	_ = 	snop  }
0x7: {  	_ = 	snop  }
__scs_overlays_trampoline_lowered:
0x8: {  	[smem:$0x3FAE] =	sst s0  }
0x9: {  	[smem:$0x3FAF] =	sst s1  }
0xa: {  	[smem:$0x3FB0] =	sst s2  }
0xb: {  	[smem:$0x3FB1] =	sst s3  }
0xc: {  	[smem:$0x3FB2] =	sst s4  }
0xd: {  	[smem:$0x3FB3] =	sst s5  }
0xe: {  	[smem:$0x3FB4] =	sst s6  }
0xf: {  	[smem:$0x3FB5] =	sst s7  }
0x10: {  	[smem:$0x3FB6] =	sst s8  }
0x11: {  	[smem:$0x3FB7] =	sst s9;
	s0 =	simm.s32 @!p0 $0x0  }
0x12: {  	s1 =	sld [smem:$0x3F9D];
	s0 =	simm.s32 @p0 $0x1  }
0x13: {  	[smem:$0x3FB8] =	sst s0;
	s0 =	simm.s32 @!p1 $0x0  }
0x14: {  	s2 =	sld [smem:$0x3F9C];
	s0 =	simm.s32 @p1 $0x1  }
0x15: {  	[smem:$0x3FB9] =	sst s0;
	s0 =	simm.s32 @!p2 $0x0  }
0x16: {  	s3 =	sld [smem:$0x3FDB];
	s0 =	simm.s32 @p2 $0x1  }
0x17: {  	s4 =	simm.s32 $0x1BF5;
	[smem:$0x3FBB] =	sst s0  }
0x18: {  	s0 =	sld [smem:$0x3F9E];
	_ =	swait.ge [sflag:s4], $0x0  }
0x19: {  	s7 =	sld [smem:$0x3F9F]  }
0x1a: {  	s8 =	sadd.s32 $0xFFFFE003, lr  }
0x1b: {  	s9 =	sadd.s32 $0xFFFFFEF7, lr;
	s5 =	simm.s32 $0xFFFFFFFF;
	p2 =	slt.u32 s8, $0xFFFFF086  }
0x1c: {  	p1 =	slt.u32 s9, $0xF7A;
	s5 =	simm.s32 @!p2 $0x0  }
0x1d: {  	s5 =	simm.s32 @p1 $0x1;
	p0 =	seq.s32 s7, s2  }
0x1e: {  	s7 =	smul.u32 @!p0 $0xF7A, s2;
	p2 =	seq.s32 @!p0 s5, $0x0  }
0x1f: {  	s9 =	smul.u32 $0xF7A, s1;
	s8 =	simm.s32 @!p0 $0x1BF5;
	p2 =	por !p2, p0  }
0x20: {  	[sflag:s8] =	ssyncset.s32 @!p0 $0xFFFFF086;
	s6 =	sadd.s32 @!p0 s3, s7;
	s7 =	simm.s32 @!p0 $0x108  }
0x21: {  	s3 =	sadd.s32 s3, s9;
	s6 =	sadd.s32 @!p0 $0x88, s6;
	s7 =	simm.s32 @p2 $0x1082  }
0x22: {  	[simem:s7], [sflag:s8] =	dma.local @!p0 [hbm:s6], $0xF7A  }
0x23: {  	s9 =	sor.u32 $0xD0000000, s2;
	s6 =	simm.s32 $0x108;
	_ =	swait.ge @!p0 [sflag:s8], $0x0  }
0x24: {  	s3 =	sadd.s32 $0x88, s3;
	s6 =	simm.s32 @!p1 $0x1082;
	[sflag:s4] =	ssyncset.s32 $0xFFFFF086  }
0x25: {  	[simem:s6], [sflag:s4] =	dma.local [hbm:s3], $0xF7A  }
0x26: {  	[smem:$0x3F9F] =	sst s1;
	(tag) =	ssettag s2;
	_ =	strace s9  }
0x27: {  	s1 =	sld [smem:$0x3FAF]  }
0x28: {  	s2 =	sld [smem:$0x3FB0]  }
0x29: {  	s4 =	sld [smem:$0x3FB2]  }
0x2a: {  	p0 =	seq.s32 s5, $0x0;
	s5 =	sld [smem:$0x3FB3]  }
0x2b: {  	s6 =	sld [smem:$0x3FB4]  }
0x2c: {  	s7 =	sld [smem:$0x3FB5]  }
0x2d: {  	s3 =	simm.s32 $0x108;
	s8 =	sld [smem:$0x3FB6]  }
0x2e: {  	s3 =	simm.s32 @!p0 $0x1082;
	s9 =	sld [smem:$0x3FB7]  }
0x2f: {  	lr =	sadd.s32 s0, s3;
	s0 =	sld [smem:$0x3FAE]  }
0x30: {  	s3 =	sld [smem:$0x3FB1]  }
0x31: {  	[smem:$0x3FBA] =	sst s10  }
0x32: {  	s10 =	sld [smem:$0x3FB8];
	_ =	sdelay $0x3  }
0x33: {  	p0 =	seq.s32 s10, $0x1;
	s10 =	sld [smem:$0x3FBA];
	_ =	sdelay $0x3  }
0x34: {  	[smem:$0x3FBA] =	sst s10  }
0x35: {  	s10 =	sld [smem:$0x3FB9];
	_ =	sdelay $0x3  }
0x36: {  	p1 =	seq.s32 s10, $0x1;
	s10 =	sld [smem:$0x3FBA];
	_ =	sdelay $0x3  }
0x37: {  	[smem:$0x3FBA] =	sst s10  }
0x38: {  	s10 =	sld [smem:$0x3FBB]  }
0x39: {  	_ = 	snop;
	(pc) =	sbr.ind lr, $3  }
0x3a: {  	_ = 	snop  }
0x3b: {  	_ = 	snop  }
0x3c: {  	p2 =	seq.s32 s10, $0x1;
	s10 =	sld [smem:$0x3FBA]  }
0x3d: {  	_ =	shalt  }
0x3e: {  	_ =	shalt  }
0x3f: {  	_ =	shalt  }
0x40: {  	_ =	shalt  }
0x41: {  	_ =	shalt  }
0x42: {  	_ =	shalt  }
0x43: {  	_ =	shalt  }
0x44: {  	_ =	shalt  }
0x45: {  	_ =	shalt  }
0x46: {  	_ =	shalt  }
0x47: {  	_ =	shalt  }
0x48: {  	_ =	shalt  }
0x49: {  	_ =	shalt  }
0x4a: {  	_ =	shalt  }
0x4b: {  	_ =	shalt  }
0x4c: {  	_ =	shalt  }
0x4d: {  	_ =	shalt  }
0x4e: {  	_ =	shalt  }
0x4f: {  	_ =	shalt  }
0x50: {  	_ =	shalt  }
0x51: {  	_ =	shalt  }
0x52: {  	_ =	shalt  }
0x53: {  	_ =	shalt  }
0x54: {  	_ =	shalt  }
0x55: {  	_ =	shalt  }
0x56: {  	_ =	shalt  }
0x57: {  	_ =	shalt  }
0x58: {  	_ =	shalt  }
0x59: {  	_ =	shalt  }
0x5a: {  	_ =	shalt  }
0x5b: {  	_ =	shalt  }
0x5c: {  	_ =	shalt  }
0x5d: {  	_ =	shalt  }
0x5e: {  	_ =	shalt  }
0x5f: {  	_ =	shalt  }
0x60: {  	_ =	shalt  }
0x61: {  	_ =	shalt  }
0x62: {  	_ =	shalt  }
0x63: {  	_ =	shalt  }
0x64: {  	_ =	shalt  }
0x65: {  	_ =	shalt  }
0x66: {  	_ =	shalt  }
0x67: {  	_ =	shalt  }
0x68: {  	_ =	shalt  }
0x69: {  	_ =	shalt  }
0x6a: {  	_ =	shalt  }
0x6b: {  	_ =	shalt  }
0x6c: {  	_ =	shalt  }
0x6d: {  	_ =	shalt  }
0x6e: {  	_ =	shalt  }
0x6f: {  	_ =	shalt  }
0x70: {  	_ =	shalt  }
0x71: {  	_ =	shalt  }
0x72: {  	_ =	shalt  }
0x73: {  	_ =	shalt  }
0x74: {  	_ =	shalt  }
0x75: {  	_ =	shalt  }
0x76: {  	_ =	shalt  }
0x77: {  	_ =	shalt  }
0x78: {  	_ =	shalt  }
0x79: {  	_ =	shalt  }
0x7a: {  	_ =	shalt  }
0x7b: {  	_ =	shalt  }
0x7c: {  	_ =	shalt  }
0x7d: {  	_ =	shalt  }
0x7e: {  	_ =	shalt  }
0x7f: {  	_ =	shalt  }
0x80: {  	_ =	shalt  }
0x81: {  	_ =	shalt  }
0x82: {  	_ =	shalt  }
0x83: {  	_ =	shalt  }
0x84: {  	_ =	shalt  }
0x85: {  	_ =	shalt  }
0x86: {  	_ =	shalt  }
0x87: {  	_ =	shalt  }
.Lfunc_end0:
.L_simem_size_0:
called_computation.1_lowered:
.L_overlay_start_0:
0x88: {  	s2 =	sld [smem:$0x3FD9]  }
0x89: {  	s3 =	sld [smem:$0x3FFE];
	_ =	sdelay $0x1  }
0x8a: {  	s1 =	srdreg.scid  }
0x8b: {  	s0 =	sand.u32 $0x1, s1  }
0x8c: {  	s17 =	sshll.u32 s0, $0xA;
	s2 =	sadd.s32 s3, s2  }
0x8d: {  	s2 =	sadd.s32 s2, s17  }
0x8e: {  	[smem:$0x3FC6] =	sst s2  }
0x8f: {  	_ = 	snop  }
0x90: {  	s2 =	sld [smem:$0x3FD0];
	(tm) =	ssettm $0x1  }
0x91: {  	s18 =	sld [smem:$0x3FFB];
	_ =	sdelay $0x3  }
0x92: {  	_ =	strace s18  }
0x93: {  	s3 =	sld [smem:$0x3FFC];
	_ =	sdelay $0x3  }
0x94: {  	_ =	strace s3  }
0x95: {  	s3 =	sld [smem:$0x3FFD];
	_ =	sdelay $0x3  }
0x96: {  	_ =	strace s3  }
0x97: {  	_ =	strace $0x8FFFFFFF  }
0x98: {  	s19 =	sld [smem:$0x3FDB];
	_ =	sdelay $0x1  }
0x99: {  	s4 =	simm.s32 $_scs_section_size  }
0x9a: {  	s5 =	simm.s32 $_size__tile_overlayer_lowered;
	s6 =	simm.s32 $_tile_overlayer_lowered  }
0x9b: {  	s22 =	simm.s32 $0x1BFF;
	s21 =	sshll.u32 s6, $0x1;
	s3 =	sadd.s32 s4, s19  }
0x9c: {  	s7 =	simm.s32 $0x0;
	s20 =	sshll.u32 s5, $0x1;
	s5 =	sadd.s32 s21, s3  }
0x9d: {  	[timem:s7], [sflag:s22] =	dma.local [hbm:s5], s20  }
0x9e: {  	_ =	swait.ge [sflag:s22], s20  }
0x9f: {  	s4 =	ssub.s32 $0x0, s20;
	[sflag:s22] =	ssyncset.done $0x0  }
0xa0: {  	[sflag:s22] =	ssyncadd.s32 s4;
	_ =	sdelay $0x1  }
0xa1: {  	s23 =	simm.s32 $0x1B8B  }
0xa2: {  	_ =	swait.ge [sflag:s23], $0x1  }
0xa3: {  	[sflag:s23] =	ssyncset.done $0x0  }
0xa4: {  	s25 =	simm.s32 $0x1B8E;
	s24 =	sld [smem:$0x3FFE];
	[sflag:s23] =	ssyncadd.s32 $0xFFFFFFFF  }
0xa5: {  	s26 =	simm.s32 $execute0_lowered;
	[smem:$0x3FD2] =	sst s25  }
0xa6: {  	s5 =	sshll.u32 s26, $0x1;
	_ =	strace $0x80000046;
	[dreg:$0x1] =	wrdreg $0xFFFFFFFF  }
0xa7: {  	s28 =	simm.s32 $_size_execute0_lowered;
	s3 =	sadd.s32 s3, s5;
	[dreg:$0x0] =	wrdreg $0x0  }
0xa8: {  	s5 =	sshll.u32 s28, $0x1;
	[dreg:$0x2] =	wrdreg s3  }
0xa9: {  	[dreg:$0x3] =	wrdreg s5  }
0xaa: {  	[dreg:$0x4] =	wrdreg $0xC0  }
0xab: {  	_ =	task [dreg:s7], $0x5FFFF  }
0xac: {  	[dreg:$0x1] =	wrdreg $0xFFFFFFFF  }
0xad: {  	[dreg:$0x0] =	wrdreg $0x60  }
0xae: {  	[dreg:$0x2] =	wrdreg s24  }
0xaf: {  	[dreg:$0x3] =	wrdreg s2  }
0xb0: {  	[dreg:$0x4] =	wrdreg $0x9  }
0xb1: {  	_ =	task.clear_ibuf [dreg:s7], $0x5FFFF;
	_ =	strace $0x90000046  }
0xb2: {  	s29 =	simm.s32 $0x9;
	_ =	strace $0x80000048  }
0xb3: {  	_ =	swait.ge [sflag:s29], $0x1  }
0xb4: {  	[sflag:s29] =	ssyncadd.s32 $0xFFFFFFFF  }
0xb5: {  	_ =	strace $0x90000048  }
0xb6: {  	_ =	sfence  }
0xb7: {  	s30 =	sld [smem:$0x0];
	_ =	sdelay $0x2  }
0xb8: {  	s31 =	sshll.u32 s1, $0xD;
	s1 =	sshrl.u32 s1, $0x2  }
0xb9: {  	s3 =	sand.u32 $0x4000, s31;
	s1 =	sadd.s32 s1, s30  }
0xba: {  	s0 =	sor.u32 s3, s0;
	s1 =	sshll.u32 s1, $0x11  }
0xbb: {  	s0 =	sor.u32 s1, s0  }
0xbc: {  	s0 =	sadd.s32 $0x8F2B, s0  }
0xbd: {  	[sflag:s0] =	ssyncadd.remote.s32 $0x1  }
0xbe: {  	_ =	sfence.sel $0xFFFF  }
0xbf: {  	[dreg:$0x0] =	wrdreg $0xFFFFFFFF;
	(pc) =	sbr.abs _section_cstart, $3  }
0xc0: {  	[dreg:$0x1] =	wrdreg $0xFFFFFFFF  }
0xc1: {  	_ =	task.clear_ibuf [dreg:s7], $0x2FFFF;
	_ =	strace $0x9FFFFFFF  }
0xc2: {  	(tm) =	ssettm $0x7FFFFFFF  }
0xc3: {  	_ =	shalt  }
tec
execute0_lowered:
.L_overlay_start_1:
0x0: {  	(tag) =	ssettag $0x1  }
0x1: {  	s0 =	rddreg [dreg:$0x0]  }
0x2: {  	s1 =	rddreg [dreg:$0x1]  }
0x3: {  	s3 =	srdreg.scid;
	s11 =	stileid.u32;
	s2 =	simm.s32 $0x0  }
0x4: {  	s28 =	simm.s32 $0x9;
	s29 =	simm.s32 $0xDC00;
	s30 =	simm.s32 $0x2  }
0x5: {  	s4 =	sand.u32 $0x1, s3;
	s17 =	sshll.u32 s11, $0x1;
	s22 =	smul.u32 $0xC800, s11  }
0x6: {  	s5 =	sor.u32 s4, s17;
	s6 =	ssub.s32 $0x2, s4;
	s4 =	smul.u32 $0x6400, s4  }
0x7: {  	s31 =	simm.s32 $0x5;
	[smem:$0x7FF] =	sst s2;
	s7 =	smul.u32 $0x6400, s5  }
0x8: {  	s8 =	sadd.s32 $0xA00, s0;
	s3 =	sadd.s32 $0xF42E00, s0;
	s9 =	smul.u32 $0x19000, s5  }
0x9: {  	_ =	strace $0x80000047;
	s18 =	sshrl.u32 s6, $0x1;
	s21 =	smul.u32 $0xC8000, s5  }
0xa: {  	s0 =	ssub.s32 s6, s18;
	s4 =	sadd.s32 s4, s22;
	s22 =	simm.s32 $0x8C00  }
0xb: {  	s19 =	sshrl.u32 s7, $0x3;
	s20 =	sor.u32 $0x3C0, s7;
	s5 =	sadd.s32 s1, s9  }
0xc: {  	s7 =	sshrl.u32 s21, $0x3;
	s4 =	sshll.u32 s4, $0x2;
	s14 =	smax.u32 s0, $0x1  }
0xd: {  	s21 =	simm.s32 $0x6400;
	s0 =	simm.s32 $0x4;
	s6 =	sadd.s32 s8, s19  }
0xe: {  	s10 =	sshrl.u32 s20, $0x3;
	s23 =	sadd.s32 $0x500, s5;
	[dreg:$0x3] =	wrdreg s6  }
0xf: {  	s24 =	sadd.s32 $0xA00, s5;
	s25 =	sadd.s32 s1, s7;
	[dreg:$0x5] =	wrdreg s23  }
0x10: {  	s19 =	simm.s32 $0xA;
	s8 =	sadd.s32 s8, s10;
	[dreg:$0x6] =	wrdreg s24  }
0x11: {  	s6 =	sshll.u32 s20, $0x2;
	s7 =	sadd.s32 $0x17C00, s25;
	s26 =	sadd.s32 $0x18100, s25  }
0x12: {  	s12 =	sadd.s32 $0x18600, s25;
	s13 =	sadd.s32 $0x18B00, s25;
	s20 =	simm.s32 $0x140  }
0x13: {  	s24 =	simm.s32 $0xB400;
	s25 =	simm.s32 $0x3C0;
	[dreg:$0x4] =	wrdreg s8  }
0x14: {  	s23 =	simm.s32 $0x6;
	s6 =	sadd.s32 s1, s6;
	[dreg:$0x8] =	wrdreg s7  }
0x15: {  	[dreg:$0x9] =	wrdreg s26;
	s1 =	sadd.s32 s1, s4;
	s26 =	simm.s32 $0x1  }
0x16: {  	s4 =	simm.s32 $0x7;
	s7 =	simm.s32 $0x0;
	[dreg:$0x7] =	wrdreg s6  }
0x17: {  	s15 =	sadd.s32 $0x1E00, s1;
	s16 =	sadd.s32 $0x1900, s1;
	s17 =	sadd.s32 $0x2300, s1  }
0x18: {  	s18 =	sadd.s32 $0x1400, s1;
	s1 =	simm.s32 $0x3;
	s6 =	simm.s32 $0x8  }
.LBB2_1:
0x19: {  	s8 =	rddreg [dreg:$0x3]  }
0x1a: {  	[tilespmem:s2], [sflag:$0xA] =	stream.linear.gather [hbm4b:s8+s2], $0x3C0, $0x38;
	[tilespmem:$0x10400] =	vst v63  }
0x1b: {  	_ =	swait.ge [sflag:s19], $0x3C0  }
0x1c: {  	[sflag:s19] =	ssyncset.done $0x0  }
0x1d: {  	[sflag:s19] =	ssyncadd.s32 $0xFFFFFC40  }
0x1e: {  	[tilespmem:s21], [sflag:$0x1] =	stream.indirect.gather [hbm4b:s3+s20], $0x20, s2, s20, $0xb8;
	[tilespmem:$0x10400] =	vst v63  }
0x1f: {  	_ = 	snop  }
0x20: {  	[tilespmem:s22], [sflag:$0x2] =	stream.indirect.gather [hbm4b:s3+s20], $0x20, s20, s20, $0xb8;
	[tilespmem:$0x10400] =	vst v63  }
0x21: {  	s9 =	simm.s32 $0x280  }
0x22: {  	[tilespmem:s24], [sflag:$0x3] =	stream.indirect.gather [hbm4b:s3+s20], $0x20, s9, s20, $0xb8;
	[tilespmem:$0x10400] =	vst v63  }
0x23: {  	s10 =	rddreg [dreg:$0x4]  }
0x24: {  	[tilespmem:s25], [sflag:$0x9] =	stream.linear.gather [hbm4b:s10+s2], $0x6040, $0x38;
	[tilespmem:$0x10400] =	vst v63  }
0x25: {  	_ =	swait.ge [sflag:s26], $0x2800  }
0x26: {  	[sflag:s26] =	ssyncset.done $0x0  }
0x27: {  	[sflag:s26] =	ssyncadd.s32 $0xFFFFD800  }
0x28: {  	[hbm4b:s5+s2] =	stream.linear.scatter [tilespmem:s21], [sflag:$0x5], $0x2800, $0x38;
	[tilespmem:$0x10400] =	vst v63  }
0x29: {  	_ =	swait.ge [sflag:s28], $0x6040  }
0x2a: {  	[sflag:s28] =	ssyncset.done $0x0  }
0x2b: {  	[sflag:s28] =	ssyncadd.s32 $0xFFFF9FC0  }
0x2c: {  	[tilespmem:s29], [sflag:$0x4] =	stream.indirect.gather [hbm4b:s3+s20], $0x20, s25, s20, $0xb8;
	[tilespmem:$0x10400] =	vst v63  }
0x2d: {  	_ =	swait.ge [sflag:s30], $0x2800  }
0x2e: {  	[sflag:s30] =	ssyncset.done $0x0  }
0x2f: {  	s11 =	rddreg [dreg:$0x5];
	[sflag:s30] =	ssyncadd.s32 $0xFFFFD800  }
0x30: {  	[hbm4b:s11+s2] =	stream.linear.scatter [tilespmem:s22], [sflag:$0x6], $0x2800, $0x38;
	[tilespmem:$0x10400] =	vst v63  }
0x31: {  	_ =	swait.ge [sflag:s31], $0x2800  }
0x32: {  	[sflag:s31] =	ssyncset.done $0x0  }
0x33: {  	s9 =	simm.s32 $0x500;
	[sflag:s31] =	ssyncadd.s32 $0xFFFFD800  }
0x34: {  	[tilespmem:s21], [sflag:$0x1] =	stream.indirect.gather [hbm4b:s3+s20], $0x20, s9, s20, $0xb8;
	[tilespmem:$0x10400] =	vst v63  }
0x35: {  	_ =	swait.ge [sflag:s1], $0x2800  }
0x36: {  	[sflag:s1] =	ssyncset.done $0x0  }
0x37: {  	s10 =	rddreg [dreg:$0x6];
	[sflag:s1] =	ssyncadd.s32 $0xFFFFD800  }
0x38: {  	[hbm4b:s10+s2] =	stream.linear.scatter [tilespmem:s24], [sflag:$0x7], $0x2800, $0x38;
	[tilespmem:$0x10400] =	vst v63  }
0x39: {  	_ =	swait.ge [sflag:s23], $0x2800  }
0x3a: {  	[sflag:s23] =	ssyncset.done $0x0  }
0x3b: {  	s11 =	simm.s32 $0x640;
	[sflag:s23] =	ssyncadd.s32 $0xFFFFD800  }
0x3c: {  	[tilespmem:s22], [sflag:$0x2] =	stream.indirect.gather [hbm4b:s3+s20], $0x20, s11, s20, $0xb8;
	[tilespmem:$0x10400] =	vst v63  }
0x3d: {  	_ =	swait.ge [sflag:s0], $0x2800  }
0x3e: {  	[sflag:s0] =	ssyncset.done $0x0  }
0x3f: {  	s9 =	rddreg [dreg:$0x7];
	[sflag:s0] =	ssyncadd.s32 $0xFFFFD800  }
0x40: {  	[hbm4b:s9+s2] =	stream.linear.scatter [tilespmem:s29], [sflag:$0x8], $0x2800, $0x38;
	[tilespmem:$0x10400] =	vst v63  }
0x41: {  	_ =	swait.ge [sflag:s4], $0x2800  }
0x42: {  	[sflag:s4] =	ssyncset.done $0x0  }
0x43: {  	s10 =	simm.s32 $0x780;
	[sflag:s4] =	ssyncadd.s32 $0xFFFFD800  }
0x44: {  	[tilespmem:s24], [sflag:$0x3] =	stream.indirect.gather [hbm4b:s3+s20], $0x20, s10, s20, $0xb8;
	[tilespmem:$0x10400] =	vst v63  }
0x45: {  	_ =	swait.ge [sflag:s26], $0x2800  }
0x46: {  	[sflag:s26] =	ssyncset.done $0x0  }
0x47: {  	s11 =	sadd.s32 $0x0, s18;
	[sflag:s26] =	ssyncadd.s32 $0xFFFFD800  }
0x48: {  	[hbm4b:s11+s2] =	stream.linear.scatter [tilespmem:s21], [sflag:$0x5], $0x2800, $0x38;
	[tilespmem:$0x10400] =	vst v63  }
0x49: {  	_ =	swait.ge [sflag:s6], $0x2800  }
0x4a: {  	[sflag:s6] =	ssyncset.done $0x0  }
0x4b: {  	s9 =	simm.s32 $0x8C0;
	[sflag:s6] =	ssyncadd.s32 $0xFFFFD800  }
0x4c: {  	[tilespmem:s29], [sflag:$0x4] =	stream.indirect.gather [hbm4b:s3+s20], $0x20, s9, s20, $0xb8;
	[tilespmem:$0x10400] =	vst v63  }
0x4d: {  	_ =	swait.ge [sflag:s30], $0x2800  }
0x4e: {  	[sflag:s30] =	ssyncset.done $0x0  }
0x4f: {  	s10 =	sadd.s32 $0x0, s16;
	[sflag:s30] =	ssyncadd.s32 $0xFFFFD800  }
0x50: {  	[hbm4b:s10+s2] =	stream.linear.scatter [tilespmem:s22], [sflag:$0x6], $0x2800, $0x38;
	[tilespmem:$0x10400] =	vst v63  }
0x51: {  	_ =	swait.ge [sflag:s31], $0x2800  }
0x52: {  	[sflag:s31] =	ssyncset.done $0x0  }
0x53: {  	s11 =	simm.s32 $0xA00;
	[sflag:s31] =	ssyncadd.s32 $0xFFFFD800  }
0x54: {  	[tilespmem:s21], [sflag:$0x1] =	stream.indirect.gather [hbm4b:s3+s20], $0x20, s11, s20, $0xb8;
	[tilespmem:$0x10400] =	vst v63  }
0x55: {  	_ =	swait.ge [sflag:s1], $0x2800  }
0x56: {  	[sflag:s1] =	ssyncset.done $0x0  }
0x57: {  	s9 =	sadd.s32 $0x0, s15;
	[sflag:s1] =	ssyncadd.s32 $0xFFFFD800  }
0x58: {  	[hbm4b:s9+s2] =	stream.linear.scatter [tilespmem:s24], [sflag:$0x7], $0x2800, $0x38;
	[tilespmem:$0x10400] =	vst v63  }
0x59: {  	_ =	swait.ge [sflag:s23], $0x2800  }
0x5a: {  	[sflag:s23] =	ssyncset.done $0x0  }
0x5b: {  	s10 =	simm.s32 $0xB40;
	[sflag:s23] =	ssyncadd.s32 $0xFFFFD800  }
0x5c: {  	[tilespmem:s22], [sflag:$0x2] =	stream.indirect.gather [hbm4b:s3+s20], $0x20, s10, s20, $0xb8;
	[tilespmem:$0x10400] =	vst v63  }
0x5d: {  	_ =	swait.ge [sflag:s0], $0x2800  }
0x5e: {  	[sflag:s0] =	ssyncset.done $0x0  }
0x5f: {  	s11 =	sadd.s32 $0x0, s17;
	[sflag:s0] =	ssyncadd.s32 $0xFFFFD800  }
0x60: {  	[hbm4b:s11+s2] =	stream.linear.scatter [tilespmem:s29], [sflag:$0x8], $0x2800, $0x38;
	[tilespmem:$0x10400] =	vst v63  }
0x61: {  	_ =	swait.ge [sflag:s4], $0x2800  }
0x62: {  	[sflag:s4] =	ssyncset.done $0x0  }
0x63: {  	s8 =	simm.s32 $0x1400;
	s9 =	simm.s32 $0xC80;
	[sflag:s4] =	ssyncadd.s32 $0xFFFFD800  }
.LBB2_2:
0x64: {  	[tilespmem:s24], [sflag:$0x3] =	stream.indirect.gather [hbm4b:s3+s20], $0x20, s9, s20, $0xb8;
	[tilespmem:$0x10400] =	vst v63  }
0x65: {  	s9 =	smov.u32 s8  }
0x66: {  	p0 =	sne.s32 s8, $0x15400;
	s8 =	sadd.s32 $0x1400, s8;
	_ =	swait.ge [sflag:s26], $0x2800  }
0x67: {  	[sflag:s26] =	ssyncset.done $0x0  }
0x68: {  	s10 =	sadd.s32 s9, s18;
	[sflag:s26] =	ssyncadd.s32 $0xFFFFD800  }
0x69: {  	[hbm4b:s10+s2] =	stream.linear.scatter [tilespmem:s21], [sflag:$0x5], $0x2800, $0x38;
	[tilespmem:$0x10400] =	vst v63  }
0x6a: {  	_ =	swait.ge [sflag:s6], $0x2800  }
0x6b: {  	s10 =	sshra.s32 s9, $0x2;
	[sflag:s6] =	ssyncset.done $0x0  }
0x6c: {  	s11 =	sadd.s32 $0x8C0, s10;
	[sflag:s6] =	ssyncadd.s32 $0xFFFFD800  }
0x6d: {  	[tilespmem:s29], [sflag:$0x4] =	stream.indirect.gather [hbm4b:s3+s20], $0x20, s11, s20, $0xb8;
	[tilespmem:$0x10400] =	vst v63  }
0x6e: {  	_ =	swait.ge [sflag:s30], $0x2800  }
0x6f: {  	[sflag:s30] =	ssyncset.done $0x0  }
0x70: {  	s11 =	sadd.s32 s9, s16;
	[sflag:s30] =	ssyncadd.s32 $0xFFFFD800  }
0x71: {  	[hbm4b:s11+s2] =	stream.linear.scatter [tilespmem:s22], [sflag:$0x6], $0x2800, $0x38;
	[tilespmem:$0x10400] =	vst v63  }
0x72: {  	_ =	swait.ge [sflag:s31], $0x2800  }
0x73: {  	[sflag:s31] =	ssyncset.done $0x0  }
0x74: {  	s11 =	sadd.s32 $0xA00, s10;
	[sflag:s31] =	ssyncadd.s32 $0xFFFFD800  }
0x75: {  	[tilespmem:s21], [sflag:$0x1] =	stream.indirect.gather [hbm4b:s3+s20], $0x20, s11, s20, $0xb8;
	[tilespmem:$0x10400] =	vst v63  }
0x76: {  	_ =	swait.ge [sflag:s1], $0x2800  }
0x77: {  	[sflag:s1] =	ssyncset.done $0x0  }
0x78: {  	s11 =	sadd.s32 s9, s15;
	[sflag:s1] =	ssyncadd.s32 $0xFFFFD800  }
0x79: {  	[hbm4b:s11+s2] =	stream.linear.scatter [tilespmem:s24], [sflag:$0x7], $0x2800, $0x38;
	[tilespmem:$0x10400] =	vst v63  }
0x7a: {  	_ =	swait.ge [sflag:s23], $0x2800  }
0x7b: {  	[sflag:s23] =	ssyncset.done $0x0  }
0x7c: {  	s11 =	sadd.s32 $0xB40, s10;
	[sflag:s23] =	ssyncadd.s32 $0xFFFFD800  }
0x7d: {  	[tilespmem:s22], [sflag:$0x2] =	stream.indirect.gather [hbm4b:s3+s20], $0x20, s11, s20, $0xb8;
	[tilespmem:$0x10400] =	vst v63  }
0x7e: {  	_ =	swait.ge [sflag:s0], $0x2800  }
0x7f: {  	[sflag:s0] =	ssyncset.done $0x0  }
.Ltmp0:
0x80: {  	s9 =	sadd.s32 s9, s17;
	[sflag:s0] =	ssyncadd.s32 $0xFFFFD800;
	(pc) =	sbr.rel @p0 .LBB2_2-.Ltmp0, $4  }
0x81: {  	[hbm4b:s9+s2] =	stream.linear.scatter [tilespmem:s29], [sflag:$0x8], $0x2800, $0x38;
	[tilespmem:$0x10400] =	vst v63  }
0x82: {  	_ =	swait.ge [sflag:s4], $0x2800  }
0x83: {  	[sflag:s4] =	ssyncset.done $0x0  }
0x84: {  	s9 =	sadd.s32 $0xC80, s10;
	[sflag:s4] =	ssyncadd.s32 $0xFFFFD800  }
0x85: {  	[tilespmem:s24], [sflag:$0x3] =	stream.indirect.gather [hbm4b:s3+s20], $0x20, s9, s20, $0xb8;
	[tilespmem:$0x10400] =	vst v63  }
0x86: {  	_ =	swait.ge [sflag:s26], $0x2800  }
0x87: {  	[sflag:s26] =	ssyncset.done $0x0  }
0x88: {  	s8 =	rddreg [dreg:$0x8];
	[sflag:s26] =	ssyncadd.s32 $0xFFFFD800  }
0x89: {  	[hbm4b:s8+s2] =	stream.linear.scatter [tilespmem:s21], [sflag:$0x5], $0x2800, $0x38;
	[tilespmem:$0x10400] =	vst v63  }
0x8a: {  	_ =	swait.ge [sflag:s6], $0x2800  }
0x8b: {  	[sflag:s6] =	ssyncset.done $0x0  }
0x8c: {  	s10 =	simm.s32 $0x62C0;
	[sflag:s6] =	ssyncadd.s32 $0xFFFFD800  }
0x8d: {  	[tilespmem:s29], [sflag:$0x4] =	stream.indirect.gather [hbm4b:s3+s20], $0x20, s10, s20, $0xb8;
	[tilespmem:$0x10400] =	vst v63  }
0x8e: {  	_ =	swait.ge [sflag:s30], $0x2800  }
0x8f: {  	[sflag:s30] =	ssyncset.done $0x0  }
0x90: {  	s11 =	rddreg [dreg:$0x9];
	[sflag:s30] =	ssyncadd.s32 $0xFFFFD800  }
0x91: {  	[hbm4b:s11+s2] =	stream.linear.scatter [tilespmem:s22], [sflag:$0x6], $0x2800, $0x38;
	[tilespmem:$0x10400] =	vst v63  }
0x92: {  	_ =	swait.ge [sflag:s1], $0x2800  }
0x93: {  	[sflag:s1] =	ssyncset.done $0x0  }
0x94: {  	[sflag:s1] =	ssyncadd.s32 $0xFFFFD800  }
0x95: {  	[hbm4b:s12+s2] =	stream.linear.scatter [tilespmem:s24], [sflag:$0x7], $0x2800, $0x38;
	[tilespmem:$0x10400] =	vst v63  }
0x96: {  	_ =	swait.ge [sflag:s0], $0x2800  }
0x97: {  	[sflag:s0] =	ssyncset.done $0x0  }
0x98: {  	[sflag:s0] =	ssyncadd.s32 $0xFFFFD800  }
0x99: {  	[hbm4b:s13+s2] =	stream.linear.scatter [tilespmem:s29], [sflag:$0x8], $0x2800, $0x38;
	[tilespmem:$0x10400] =	vst v63  }
0x9a: {  	_ =	swait.ge [sflag:s31], $0x2800  }
0x9b: {  	[sflag:s31] =	ssyncset.done $0x0  }
0x9c: {  	[sflag:s31] =	ssyncadd.s32 $0xFFFFD800  }
0x9d: {  	_ =	swait.ge [sflag:s23], $0x2800  }
0x9e: {  	[sflag:s23] =	ssyncset.done $0x0  }
0x9f: {  	s7 =	sadd.s32 $0x1, s7;
	[sflag:s23] =	ssyncadd.s32 $0xFFFFD800  }
0xa0: {  	p0 =	sne.s32 s7, s14;
	_ =	swait.ge [sflag:s4], $0x2800  }
.Ltmp1:
0xa1: {  	[sflag:s4] =	ssyncset.done $0x0;
	(pc) =	sbr.rel @p0 .LBB2_1-.Ltmp1, $4  }
0xa2: {  	[sflag:s4] =	ssyncadd.s32 $0xFFFFD800  }
0xa3: {  	_ =	swait.ge [sflag:s6], $0x2800  }
0xa4: {  	[sflag:s6] =	ssyncset.done $0x0  }
0xa5: {  	[sflag:s6] =	ssyncadd.s32 $0xFFFFD800  }
0xa6: {  	_ =	sfence.sel $0x180000  }
0xa7: {  	[bflag:$0x0] =	sbarrier.arrive $0xFFFF  }
0xa8: {  	_ =	strace $0x90000047  }
0xa9: {  	s0 =	stileid.u32;
	[bflag:$0x2] =	sbarrier.arrive $0xFFFF  }
0xaa: {  	p0 =	sne.s32 s0, $0x0;
	s0 =	rddreg [dreg:$0x2]  }
0xab: {  	s0 =	sadd.s32 @!p0 $0x100000, s0  }
0xac: {  	[sflag:s0] =	ssyncadd.tile.s32 @!p0 $0x1;
	_ =	shalt  }
.Lfunc_end2:
_tile_overlayer_lowered:
.L_overlay_start_2:
0xad: {  	(tag) =	ssettag $0x2  }
0xae: {  	s0 =	rddreg [dreg:$0x0];
	s2 =	stileid.u32  }
0xaf: {  	s1 =	rddreg [dreg:$0x1];
	p0 =	sne.s32 s2, $0x0  }
0xb0: {  	s3 =	rddreg [dreg:$0x2];
	[bflag:$0x3] =	sbarrier.arrive $0xFFFF;
	s2 =	simm.s32 @!p0 $0x1C0A  }
0xb1: {  	[timem:s3], [sflag:s2] =	dma.local @!p0 [hbm:s0], s1  }
0xb2: {  	s0 =	simm.s32 @!p0 $0xA  }
0xb3: {  	_ =	swait.ge @!p0 [sflag:s0], s1  }
0xb4: {  	s1 =	ssub.s32 @!p0 $0x0, s1;
	[sflag:s0] =	ssyncset.done @!p0 $0x0  }
0xb5: {  	[sflag:s0] =	ssyncadd.s32 @!p0 s1  }
0xb6: {  	[bflag:$0x3] =	sbarrier.arrive $0xFFFF  }
0xb7: {  	_ =	shalt  }

// kernel: sparse-core-data-format-call.cloned.1.call-start
scs
called_computation_lowered:
.L_overlay_start_0:
0x0: {  	s2 =	sld [smem:$0x3FD9]  }
0x1: {  	s3 =	sld [smem:$0x3FFE];
	_ =	sdelay $0x1  }
0x2: {  	s1 =	srdreg.scid  }
0x3: {  	s0 =	sand.u32 $0x1, s1  }
0x4: {  	s18 =	sshll.u32 s0, $0xA;
	s2 =	sadd.s32 s3, s2  }
0x5: {  	s2 =	sadd.s32 s2, s18  }
0x6: {  	[smem:$0x3FC6] =	sst s2  }
0x7: {  	_ = 	snop  }
0x8: {  	s2 =	sld [smem:$0x3FD0];
	(tm) =	ssettm $0x1  }
0x9: {  	s19 =	sld [smem:$0x3FFB];
	_ =	sdelay $0x3  }
0xa: {  	_ =	strace s19  }
0xb: {  	s3 =	sld [smem:$0x3FFC];
	_ =	sdelay $0x3  }
0xc: {  	_ =	strace s3  }
0xd: {  	s3 =	sld [smem:$0x3FFD];
	_ =	sdelay $0x3  }
0xe: {  	_ =	strace s3  }
0xf: {  	_ =	strace $0x8FFFFFFF  }
0x10: {  	s20 =	sld [smem:$0x3FDB];
	_ =	sdelay $0x1  }
0x11: {  	s4 =	simm.s32 $_scs_section_size  }
0x12: {  	s5 =	simm.s32 $_size__tile_overlayer_lowered;
	s6 =	simm.s32 $_tile_overlayer_lowered  }
0x13: {  	s23 =	simm.s32 $0x1BFF;
	s22 =	sshll.u32 s6, $0x1;
	s3 =	sadd.s32 s4, s20  }
0x14: {  	s7 =	simm.s32 $0x0;
	s21 =	sshll.u32 s5, $0x1;
	s5 =	sadd.s32 s22, s3  }
0x15: {  	[timem:s7], [sflag:s23] =	dma.local [hbm:s5], s21  }
0x16: {  	_ =	swait.ge [sflag:s23], s21  }
0x17: {  	s4 =	ssub.s32 $0x0, s21;
	[sflag:s23] =	ssyncset.done $0x0  }
0x18: {  	[sflag:s23] =	ssyncadd.s32 s4;
	_ =	sdelay $0x1  }
0x19: {  	s24 =	simm.s32 $0x1B8B  }
0x1a: {  	_ =	swait.ge [sflag:s24], $0x1  }
0x1b: {  	[sflag:s24] =	ssyncset.done $0x0  }
0x1c: {  	s26 =	simm.s32 $0x1B8E;
	s25 =	sld [smem:$0x3FFE];
	[sflag:s24] =	ssyncadd.s32 $0xFFFFFFFF  }
0x1d: {  	s27 =	simm.s32 $execute0_lowered;
	[smem:$0x3FD2] =	sst s26  }
0x1e: {  	s5 =	sshll.u32 s27, $0x1;
	_ =	strace $0x80000049;
	[dreg:$0x1] =	wrdreg $0xFFFFFFFF  }
0x1f: {  	s28 =	simm.s32 $_size_execute0_lowered;
	s3 =	sadd.s32 s3, s5;
	[dreg:$0x0] =	wrdreg $0x0  }
0x20: {  	s5 =	sshll.u32 s28, $0x1;
	[dreg:$0x2] =	wrdreg s3  }
0x21: {  	[dreg:$0x3] =	wrdreg s5  }
0x22: {  	[dreg:$0x4] =	wrdreg $0xC0  }
0x23: {  	_ =	task [dreg:s7], $0x5FFFF  }
0x24: {  	[dreg:$0x1] =	wrdreg $0xFFFFFFFF  }
0x25: {  	[dreg:$0x0] =	wrdreg $0x60  }
0x26: {  	[dreg:$0x2] =	wrdreg s25  }
0x27: {  	[dreg:$0x3] =	wrdreg s2  }
0x28: {  	[dreg:$0x4] =	wrdreg $0x9  }
0x29: {  	_ =	task.clear_ibuf [dreg:s7], $0x5FFFF;
	_ =	strace $0x90000049  }
0x2a: {  	s29 =	simm.s32 $0x9;
	_ =	strace $0x8000004B  }
0x2b: {  	_ =	swait.ge [sflag:s29], $0x1  }
0x2c: {  	[sflag:s29] =	ssyncadd.s32 $0xFFFFFFFF  }
0x2d: {  	_ =	strace $0x9000004B  }
0x2e: {  	_ =	sfence  }
0x2f: {  	s30 =	sld [smem:$0x0];
	_ =	sdelay $0x2  }
0x30: {  	s31 =	sshll.u32 s1, $0xD;
	s1 =	sshrl.u32 s1, $0x2  }
0x31: {  	s3 =	sand.u32 $0x4000, s31;
	s1 =	sadd.s32 s1, s30  }
0x32: {  	s0 =	sor.u32 s3, s0;
	s1 =	sshll.u32 s1, $0x11  }
0x33: {  	s0 =	sor.u32 s1, s0  }
0x34: {  	s0 =	sadd.s32 $0x8F2B, s0  }
0x35: {  	[sflag:s0] =	ssyncadd.remote.s32 $0x1  }
0x36: {  	_ =	sfence.sel $0xFFFF  }
0x37: {  	[dreg:$0x0] =	wrdreg $0xFFFFFFFF;
	(pc) =	sbr.abs _section_cstart, $3  }
0x38: {  	[dreg:$0x1] =	wrdreg $0xFFFFFFFF  }
0x39: {  	_ =	task.clear_ibuf [dreg:s7], $0x2FFFF;
	_ =	strace $0x9FFFFFFF  }
0x3a: {  	(tm) =	ssettm $0x7FFFFFFF  }
0x3b: {  	_ =	shalt  }
tec
execute0_lowered:
.L_overlay_start_1:
0x0: {  	(tag) =	ssettag $0x1  }
0x1: {  	s0 =	srdreg.scid  }
0x2: {  	s1 =	sshll.u32 s0, $0x4  }
0x3: {  	s0 =	stileid.u32;
	s1 =	sand.u32 $0x10, s1  }
0x4: {  	s1 =	sor.u32 s0, s1  }
0x5: {  	s6 =	rddreg [dreg:$0x0];
	s4 =	simm.s32 $0x1;
	s2 =	sshll.u32 s1, $0x7  }
0x6: {  	s7 =	simm.s32 $0x2;
	s12 =	simm.s32 $0x0;
	s1 =	ssub.s32 $0x1000, s2  }
0x7: {  	s8 =	simm.s32 $0x8000;
	s13 =	simm.s32 $0x0;
	s3 =	sand.u32 $0xF80, s1  }
0x8: {  	s9 =	simm.s32 $0x0;
	s5 =	sshrl.u32 s1, $0xC;
	p0 =	sne.s32 s3, $0x0  }
.Ltmp0:
0x9: {  	s1 =	rddreg [dreg:$0x2];
	s4 =	simm.s32 @!p0 $0x0;
	(pc) =	sbr.rel .LBB1_1-.Ltmp0, $4  }
0xa: {  	s11 =	simm.s32 $0x0;
	s3 =	rddreg [dreg:$0x1];
	s5 =	sadd.s32 s4, s5  }
0xb: {  	_ =	strace $0x8000004A;
	s4 =	simm.s32 $0x1;
	s5 =	smul.u32 $0xC8, s5  }
0xc: {  	s6 =	sadd.s32 $0xA00, s6;
	s10 =	smov.u32 s2;
	[sflag:s4] =	ssyncpa.u1 $0x0  }
0xd: {  	p0 =	por $0x0, $0x0;
	[sflag:s7] =	ssyncpa.u1 $0x0;
	s7 =	sor.u32 $0x1, s5  }
.LBB1_4:
0xe: {  	s16 =	sshll.u32 s13, $0x3;
	s17 =	sand.u32 $0x78, s13  }
0xf: {  	s30 =	sand.u32 $0x3E00, s13;
	s12 =	sshll.u32 s12, $0xE;
	s16 =	sand.u32 $0xC00, s16  }
0x10: {  	s31 =	sand.u32 $0x7, s13;
	s16 =	sor.u32 s17, s16;
	s17 =	sadd.s32 s3, s30  }
0x11: {  	s13 =	sshll.u32 s31, $0x12;
	s16 =	sshrl.u32 s16, $0x3;
	s12 =	sadd.s32 s12, s17  }
0x12: {  	[tilespmem:s15+$0x0 ss:$0x81] =	vst.msk $0xffff, v0;
	s13 =	sor.u32 $0x400, s13;
	s12 =	sadd.s32 s16, s12  }
0x13: {  	[hbm4b:s12+s13] =	stream.strided.scatter [tilespmem:s14], [sflag:$0x2], $0x1000, s8, s13, $0x20;
	[tilespmem:$0x4040] =	vst v63  }
.LBB1_5:
0x14: {  	s14 =	sadd.s32 $0x1, s9  }
0x15: {  	s12 =	sadd.s32 $0x1000, s10;
	s16 =	smov.u32 s10;
	p2 =	sgt.s32 s14, $0xC7  }
0x16: {  	s16 =	smov.u32 @p2 s12  }
0x17: {  	s14 =	simm.s32 @p2 $0x0;
	p2 =	sgt.s32 s16, $0xFFF  }
0x18: {  	s16 =	smov.u32 @p2 s2;
	p2 =	sne.s32 s11, s7  }
.Ltmp1:
0x19: {  	p1 =	slt.u32 s11, $0x2;
	(pc) =	sbr.rel @!p2 .LBB1_6-.Ltmp1, $4  }
0x1a: {  	s15 =	simm.s32 @!p1 $0x2  }
0x1b: {  	s13 =	smov.u32 s10;
	p0 =	por !p0, !p0;
	_ =	swait.ge @!p1 [sflag:s15], $0x1000  }
0x1c: {  	s12 =	smov.u32 s9;
	[sflag:s15] =	ssyncset.done @!p1 $0x0;
	s9 =	smov.u32 s14  }
0x1d: {  	s11 =	sadd.s32 $0x1, s11;
	[sflag:s15] =	ssyncadd.s32 @!p1 $0xFFFFF000;
	s10 =	smov.u32 s16  }
.LBB1_1:
0x1e: {  	p1 =	sge.u32 s11, s5  }
0x1f: {  	s14 =	sand.u32 @!p1 $0x1FFFFFF, s9  }
0x20: {  	s15 =	smulhi.u32 @!p1 $0x147AE15, s14;
	_ =	sdelay $0x1  }
0x21: {  	s15 =	smul.u32 @!p1 $0xC8, s15  }
0x22: {  	s16 =	sxor.u32 @!p1 $0xFFFFFFFF, s11;
	s17 =	smul.u32 @!p1 $0xC80, s10  }
0x23: {  	s31 =	sadd.s32 $0xFFFFFFFF, s11;
	s16 =	sshll.u32 @!p1 s16, $0xC;
	s14 =	ssub.s32 @!p1 s14, s15  }
0x24: {  	s15 =	sand.u32 @!p1 $0x1000, s16;
	s16 =	sadd.s32 @!p1 s6, s17;
	s14 =	sshll.u32 @!p1 s14, $0x4  }
0x25: {  	s17 =	simm.s32 @!p1 $0x6400;
	s14 =	sadd.s32 @!p1 s14, s16;
	s16 =	simm.s32 @!p1 $0x20  }
0x26: {  	[tilespmem:s15], [sflag:$0x1] =	stream.strided.gather @!p1 [hbm4b:s14+s16], $0x1000, s17, s16, $0x38;
	[tilespmem:$0x4040] =	vst v63  }
0x27: {  	p1 =	sge.u32 s31, s5  }
.Ltmp2:
0x28: {  	_ = 	snop;
	(pc) =	sbr.rel @p1 .LBB1_5-.Ltmp2, $1  }
0x29: {  	_ =	sdelay $0x3  }
0x2a: {  	s14 =	simm.s32 $0x1  }
0x2b: {  	_ =	swait.ge [sflag:s4], $0x1000;
	s14 =	simm.s32 @!p0 $0x0  }
0x2c: {  	[sflag:s4] =	ssyncset.done $0x0;
	s15 =	sshll.u32 s14, $0xC  }
0x2d: {  	[sflag:s4] =	ssyncadd.s32 $0xFFFFF000;
	s18 =	sor.u32 $0x10, s15  }
0x2e: {  	s14 =	smul.u32 $0x4080, s14;
	v1 =	vld [tilespmem:s18+$0x0]  }
0x2f: {  	s30 =	sand.u32 $0x1, s11;
	v0 =	vld [tilespmem:s18+$0xFFFFFFF0]  }
0x30: {  	s15 =	smul.u32 $0x4080, s30;
	s14 =	sshrl.u32 s14, $0x2  }
0x31: {  	s16 =	sor.u32 $0x2000, s14  }
0x32: {  	s31 =	sshrl.u32 s15, $0x2;
	s15 =	sadd.s32 $0x0, s16  }
0x33: {  	s17 =	simm.s32 $0x4;
	s18 =	sadd.s32 $0x20, s18;
	s14 =	sor.u32 $0x2000, s31;
	[tilespmem:s15+$0x810 ss:$0x81] =	vst.msk $0xffff, v1  }
.LBB1_3:
0x34: {  	v1 =	vld [tilespmem:s18+$0x0];
	p1 =	sne.s32 s17, $0x1FC;
	[tilespmem:s15+$0x0 ss:$0x81] =	vst.msk $0xffff, v0;
	s15 =	smov.u32 s17;
	s17 =	sadd.s32 $0x4, s17  }
.Ltmp3:
0x35: {  	v0 =	vld [tilespmem:s18+$0xFFFFFFF0];
	(pc) =	sbr.rel @p1 .LBB1_3-.Ltmp3, $4  }
0x36: {  	_ = 	snop  }
0x37: {  	s15 =	sshra.s32 s15, $0x2  }
0x38: {  	s15 =	sadd.s32 s15, s16  }
0x39: {  	s18 =	sadd.s32 $0x20, s18;
	[tilespmem:s15+$0x810 ss:$0x81] =	vst.msk $0xffff, v1  }
.Ltmp4:
0x3a: {  	_ = 	snop;
	(pc) =	sbr.rel .LBB1_4-.Ltmp4, $1  }
0x3b: {  	_ =	sdelay $0x3  }
.LBB1_6:
0x3c: {  	_ =	sfence.sel $0x180000  }
0x3d: {  	s2 =	simm.s32 $0x1;
	[bflag:$0x0] =	sbarrier.arrive $0xFFFF  }
0x3e: {  	s31 =	simm.s32 $0x2;
	[sflag:s2] =	ssyncpa.u1 $0x1  }
0x3f: {  	[sflag:s31] =	ssyncpa.u1 $0x1  }
0x40: {  	p0 =	sne.s32 s0, $0x0;
	_ =	strace $0x9000004A  }
0x41: {  	s0 =	sadd.s32 @!p0 $0x100000, s1;
	[bflag:$0x2] =	sbarrier.arrive $0xFFFF  }
0x42: {  	[sflag:s0] =	ssyncadd.tile.s32 @!p0 $0x1;
	_ =	shalt  }
.Lfunc_end1:
_tile_overlayer_lowered:
.L_overlay_start_2:
0x43: {  	(tag) =	ssettag $0x2  }
0x44: {  	s0 =	rddreg [dreg:$0x0];
	s2 =	stileid.u32  }
0x45: {  	s1 =	rddreg [dreg:$0x1];
	p0 =	sne.s32 s2, $0x0  }
0x46: {  	s3 =	rddreg [dreg:$0x2];
	[bflag:$0x3] =	sbarrier.arrive $0xFFFF;
	s2 =	simm.s32 @!p0 $0x1C01  }
0x47: {  	[timem:s3], [sflag:s2] =	dma.local @!p0 [hbm:s0], s1  }
0x48: {  	s0 =	simm.s32 @!p0 $0x1  }
0x49: {  	_ =	swait.ge @!p0 [sflag:s0], s1  }
0x4a: {  	s1 =	ssub.s32 @!p0 $0x0, s1;
	[sflag:s0] =	ssyncset.done @!p0 $0x0  }
0x4b: {  	[sflag:s0] =	ssyncadd.s32 @!p0 s1  }
0x4c: {  	[bflag:$0x3] =	sbarrier.arrive $0xFFFF  }
0x4d: {  	_ =	shalt  }

</sc_bundles>
